<compile_context>
chip_gen: v7x
topology: tpu7x:2x2x1
jax: 0.10.2.dev20260603
libtpu: 0.0.44.dev20260713+nightly
codegen_flags: <defaults>
</compile_context>

<pallas_src>
import functools

import jax
import jax.numpy as jnp
import numpy as np
from jax import lax
from jax.experimental import pallas as pl
from jax.experimental.pallas import tpu as pltpu
from jax.experimental.pallas import tpu_sc as plsc

_N_NODES = 10000
_D = 128
_G = 64
_NC = 2
_NS = 16
_NW = _NC * _NS
_CHUNK = 320
_N_PAD = _CHUNK * _NW
_IDXW = 16
_NJ = _CHUNK // _IDXW
_GA = _G + 8
_ZX = np.zeros((_GA, _D), np.float32)
_ZC = np.zeros((_GA, 16), np.float32)


@functools.partial(
    pl.kernel,
    out_type=[
        jax.ShapeDtypeStruct((_NC, _GA, _D), jnp.float32),
        jax.ShapeDtypeStruct((_NW, _GA, 16), jnp.float32),
    ],
    mesh=plsc.VectorSubcoreMesh(core_axis_name="c", subcore_axis_name="s"),
    compiler_params=pltpu.CompilerParams(needs_layout_passes=False),
    scratch_types=[
        pltpu.VMEM((_CHUNK, _D), jnp.float32),
        pltpu.VMEM((_CHUNK,), jnp.int32),
        pltpu.VMEM((_GA, 16), jnp.float32),
        pltpu.VMEM_SHARED((_GA, _D), jnp.float32),
        pltpu.SemaphoreType.DMA,
    ],
)
def _sc_segment(x_hbm, b_hbm, zx_hbm, zc_hbm, out_x, out_c,
                xbuf, idx, hist, acc_x, csem):
    cid = lax.axis_index("c")
    sid = lax.axis_index("s")
    wid = sid * _NC + cid
    base = wid * _CHUNK
    valid = _N_NODES - base

    @pl.when(sid == 0)
    def _zero():
        pltpu.sync_copy(zx_hbm, acc_x)

    @pl.when(wid < _NW - 1)
    def _stage_main():
        pltpu.sync_copy(b_hbm.at[pl.ds(base, _CHUNK)], idx)
        pltpu.sync_copy(x_hbm.at[pl.ds(base, _CHUNK)], xbuf)

    @pl.when(wid == _NW - 1)
    def _stage_tail():
        pltpu.sync_copy(b_hbm.at[pl.ds(base, _N_NODES - (_NW - 1) * _CHUNK)],
                        idx.at[pl.ds(0, _N_NODES - (_NW - 1) * _CHUNK)])
        pltpu.sync_copy(x_hbm.at[pl.ds(base, _N_NODES - (_NW - 1) * _CHUNK)],
                        xbuf.at[pl.ds(0, _N_NODES - (_NW - 1) * _CHUNK)])

    pltpu.sync_copy(zc_hbm, hist)

    lanes = lax.iota(jnp.int32, 16)
    one16 = jnp.ones((16,), jnp.float32)

    plsc.subcore_barrier()

    descs = []
    for j in range(_NJ):
        bv = idx[pl.ds(j * _IDXW, _IDXW)]
        ok = (j * _IDXW + lanes) < valid
        bvx = jnp.where(ok, bv, _G)
        descs.append(pltpu.async_copy(xbuf.at[pl.ds(j * _IDXW, _IDXW)],
                                      acc_x.at[bvx], csem, add=True))
        plsc.addupdate_scatter(hist, [bvx, lanes], one16)

    pltpu.sync_copy(hist, out_c.at[wid])
    for d in descs:
        d.wait()

    plsc.subcore_barrier()

    @pl.when(sid == 0)
    def _dump():
        pltpu.sync_copy(acc_x, out_x.at[cid])


def _tc_body(px_ref, pc_ref, u_ref, w0_ref, b0_ref, w1_ref, b1_ref, o_ref):
    sums = px_ref[0, 0:_G] + px_ref[1, 0:_G]
    cnt = jnp.sum(jnp.sum(pc_ref[:, 0:_G, :], axis=0), axis=1, keepdims=True)
    mean = sums / jnp.maximum(cnt, 1.0)
    w0 = w0_ref[...]
    h = (jnp.dot(u_ref[...], w0[0:_D, :], preferred_element_type=jnp.float32,
                 precision=lax.Precision.HIGHEST)
         + jnp.dot(mean, w0[_D:2 * _D, :], preferred_element_type=jnp.float32,
                   precision=lax.Precision.HIGHEST)
         + b0_ref[...])
    h = jnp.maximum(h, 0.0)
    o_ref[...] = (jnp.dot(h, w1_ref[...], preferred_element_type=jnp.float32,
                          precision=lax.Precision.HIGHEST) + b1_ref[...])


_tc_mlp = pl.pallas_call(
    _tc_body,
    out_shape=jax.ShapeDtypeStruct((_G, _D), jnp.float32),
)


def kernel(x, edge_index, edge_attr, u, batch, W0, b0, W1, b1):
    del edge_index, edge_attr
    part_x, part_c = _sc_segment(x, batch, _ZX, _ZC)
    return _tc_mlp(part_x, part_c, u, W0, b0.reshape(1, _D), W1,
                   b1.reshape(1, _D))

# --- scband reference (transcript-rebuilt; emitter-appended) ---
"""Pipeline reference for scband-global-model-50422916055678 (READ-ONLY COPY).

The authoritative reference and input builder live on the scoring server;
editing this copy changes nothing except your own understanding.
"""

import jax, jax.numpy as jnp
import numpy as np

N_NODES = 10000
N_EDGES = 320000
D_FEAT = 128
D_EDGE = 16
NUM_GRAPHS = 64
U_IN = 128
U_OUT = 128
HIDDEN = 128


def setup_inputs(seed: int = 0) -> dict:
    key = jax.random.key(seed)
    ks = jax.random.split(key, 8)
    x = jax.random.normal(ks[0], (N_NODES, D_FEAT), dtype=jnp.float32)
    edge_index = jax.random.randint(ks[1], (2, N_EDGES), 0, N_NODES, dtype=jnp.int32)
    edge_attr = jax.random.normal(ks[2], (N_EDGES, D_EDGE), dtype=jnp.float32)
    u = jax.random.normal(ks[3], (NUM_GRAPHS, U_IN), dtype=jnp.float32)
    batch = jnp.sort(jax.random.randint(ks[4], (N_NODES,), 0, NUM_GRAPHS, dtype=jnp.int32))
    # MLP params: layer0 Linear(U_IN + D_FEAT -> HIDDEN) + ReLU, layer1 Linear(HIDDEN -> U_OUT)
    W0 = jax.random.normal(ks[5], (U_IN + D_FEAT, HIDDEN), dtype=jnp.float32) * 0.05
    b0 = jnp.zeros((HIDDEN,), dtype=jnp.float32)
    W1 = jax.random.normal(ks[6], (HIDDEN, U_OUT), dtype=jnp.float32) * 0.05
    b1 = jnp.zeros((U_OUT,), dtype=jnp.float32)
    return {"x": x, "edge_index": edge_index, "edge_attr": edge_attr, "u": u,
            "batch": batch, "W0": W0, "b0": b0, "W1": W1, "b1": b1}


def reference(x, edge_index, edge_attr, u, batch, W0, b0, W1, b1):
    # scatter_mean(x, batch, dim=0): per-graph mean of node features
    seg_sum = jax.ops.segment_sum(x, batch, num_segments=NUM_GRAPHS)
    counts = jax.ops.segment_sum(jnp.ones((x.shape[0], 1), dtype=x.dtype), batch,
                                 num_segments=NUM_GRAPHS)
    seg_mean = seg_sum / jnp.maximum(counts, 1.0)
    out = jnp.concatenate([u, seg_mean], axis=1)
    # global_mlp: Linear -> ReLU -> Linear
    h = jax.nn.relu(out @ W0 + b0)
    return h @ W1 + b1

if __name__ == "__main__":
    import jax
    _d = setup_inputs()
    print(jax.jit(kernel)(*tuple(_d.values())))

</pallas_src>

<mosaic_0001>
#map = affine_map<(d0, d1) -> (0, 0)>
#map1 = affine_map<(d0, d1) -> (0)>
#map2 = affine_map<(d0, d1) -> (0, 0, 0)>
module attributes {stable_mosaic.version = 14 : i64} {
  func.func @_sc_segment(%arg0: i32, %arg1: i32, %arg2: memref<10000x128xf32, #tpu.memory_space<hbm>>, %arg3: memref<10000xi32, #tpu.memory_space<hbm>>, %arg4: memref<72x128xf32, #tpu.memory_space<hbm>>, %arg5: memref<72x16xf32, #tpu.memory_space<hbm>>, %arg6: memref<2x72x128xf32, #tpu.memory_space<hbm>>, %arg7: memref<32x72x16xf32, #tpu.memory_space<hbm>>, %arg8: memref<320x128xf32, #tpu.memory_space<vmem>>, %arg9: memref<320xi32, #tpu.memory_space<vmem>>, %arg10: memref<72x16xf32, #tpu.memory_space<vmem>>, %arg11: memref<72x128xf32, #tpu.memory_space<vmem_shared>>, %arg12: memref<!tpu.dma_semaphore, #tpu.memory_space<semaphore_mem>>) attributes {dimension_semantics = [#tpu.dimension_semantics<core_parallel>, #tpu.dimension_semantics<subcore_parallel>], iteration_bounds = array<i64: 2, 16>, scalar_prefetch = 0 : i64, scratch_operands = 5 : i64, tpu.core_type = #tpu.core_type<sc_vector_subcore>, window_params = [{transform_indices = #map}, {transform_indices = #map1}, {transform_indices = #map}, {transform_indices = #map}, {transform_indices = #map2}, {transform_indices = #map2}]} {
    %mul3A = arith.constant 2 : i32
    %mul3A_0 = arith.muli %arg1, %mul3A : i32
    %add3A = arith.addi %mul3A_0, %arg0 : i32
    %mul3A_1 = arith.constant 320 : i32
    %mul3A_2 = arith.muli %add3A, %mul3A_1 : i32
    %sub3A = arith.constant 10000 : i32
    %sub3A_3 = arith.subi %sub3A, %mul3A_2 : i32
    %eq3A = arith.constant 0 : i32
    %eq3A_4 = arith.cmpi eq, %arg1, %eq3A : i32
    %convert_element_type3A = arith.extui %eq3A_4 : i1 to i32
    %cond3A = arith.constant 0 : i32
    %cond3A_5 = arith.cmpi ne, %convert_element_type3A, %cond3A : i32
    scf.if %cond3A_5 {
      "tpu.region"() ({
        %run_scoped3A = tpu.sem_alloc : memref<!tpu.dma_semaphore, #tpu.memory_space<semaphore_mem>>
        tpu.enqueue_dma source(%arg4 : memref<72x128xf32, #tpu.memory_space<hbm>>) target(%arg11 : memref<72x128xf32, #tpu.memory_space<vmem_shared>>) target_semaphore(%run_scoped3A : memref<!tpu.dma_semaphore, #tpu.memory_space<semaphore_mem>>)
        tpu.wait_dma2 semaphore(%run_scoped3A : memref<!tpu.dma_semaphore, #tpu.memory_space<semaphore_mem>>) src(%arg4 : memref<72x128xf32, #tpu.memory_space<hbm>>) dst(%arg11 : memref<72x128xf32, #tpu.memory_space<vmem_shared>>)
        tpu.yield
      }) : () -> ()
    } else {
    }
    %lt3A = arith.constant 31 : i32
    %lt3A_6 = arith.cmpi slt, %add3A, %lt3A : i32
    %convert_element_type3A_7 = arith.extui %lt3A_6 : i1 to i32
    %cond3A_8 = arith.constant 0 : i32
    %cond3A_9 = arith.cmpi ne, %convert_element_type3A_7, %cond3A_8 : i32
    scf.if %cond3A_9 {
      "tpu.region"() ({
        %run_scoped3A = tpu.sem_alloc : memref<!tpu.dma_semaphore, #tpu.memory_space<semaphore_mem>>
        %dma_start3A_457 = tpu.memref_slice %arg3[%mul3A_2] : memref<10000xi32, #tpu.memory_space<hbm>> -> memref<320xi32, #tpu.memory_space<hbm>>
        %dma_start3A_458 = tpu.memref_slice %arg3[%mul3A_2] : memref<10000xi32, #tpu.memory_space<hbm>> -> memref<320xi32, #tpu.memory_space<hbm>>
        tpu.enqueue_dma source(%dma_start3A_458 : memref<320xi32, #tpu.memory_space<hbm>>) target(%arg9 : memref<320xi32, #tpu.memory_space<vmem>>) target_semaphore(%run_scoped3A : memref<!tpu.dma_semaphore, #tpu.memory_space<semaphore_mem>>)
        %dma_wait3A_459 = tpu.memref_slice %arg3[%mul3A_2] : memref<10000xi32, #tpu.memory_space<hbm>> -> memref<320xi32, #tpu.memory_space<hbm>>
        %dma_wait3A_460 = tpu.memref_slice %arg3[%mul3A_2] : memref<10000xi32, #tpu.memory_space<hbm>> -> memref<320xi32, #tpu.memory_space<hbm>>
        tpu.wait_dma2 semaphore(%run_scoped3A : memref<!tpu.dma_semaphore, #tpu.memory_space<semaphore_mem>>) src(%dma_wait3A_460 : memref<320xi32, #tpu.memory_space<hbm>>) dst(%arg9 : memref<320xi32, #tpu.memory_space<vmem>>)
        tpu.yield
      }) : () -> ()
      "tpu.region"() ({
        %run_scoped3A = tpu.sem_alloc : memref<!tpu.dma_semaphore, #tpu.memory_space<semaphore_mem>>
        %dma_start3A_457 = arith.constant 0 : i32
        %dma_start3A_458 = tpu.memref_slice %arg2[%mul3A_2, %dma_start3A_457] : memref<10000x128xf32, #tpu.memory_space<hbm>> -> memref<320x128xf32, #tpu.memory_space<hbm>>
        %dma_start3A_459 = arith.constant 0 : i32
        %dma_start3A_460 = tpu.memref_slice %arg2[%mul3A_2, %dma_start3A_459] : memref<10000x128xf32, #tpu.memory_space<hbm>> -> memref<320x128xf32, #tpu.memory_space<hbm>>
        tpu.enqueue_dma source(%dma_start3A_460 : memref<320x128xf32, #tpu.memory_space<hbm>>) target(%arg8 : memref<320x128xf32, #tpu.memory_space<vmem>>) target_semaphore(%run_scoped3A : memref<!tpu.dma_semaphore, #tpu.memory_space<semaphore_mem>>)
        %dma_wait3A_461 = arith.constant 0 : i32
        %dma_wait3A_462 = tpu.memref_slice %arg2[%mul3A_2, %dma_wait3A_461] : memref<10000x128xf32, #tpu.memory_space<hbm>> -> memref<320x128xf32, #tpu.memory_space<hbm>>
        %dma_wait3A_463 = arith.constant 0 : i32
        %dma_wait3A_464 = tpu.memref_slice %arg2[%mul3A_2, %dma_wait3A_463] : memref<10000x128xf32, #tpu.memory_space<hbm>> -> memref<320x128xf32, #tpu.memory_space<hbm>>
        tpu.wait_dma2 semaphore(%run_scoped3A : memref<!tpu.dma_semaphore, #tpu.memory_space<semaphore_mem>>) src(%dma_wait3A_464 : memref<320x128xf32, #tpu.memory_space<hbm>>) dst(%arg8 : memref<320x128xf32, #tpu.memory_space<vmem>>)
        tpu.yield
      }) : () -> ()
    } else {
    }
    %eq3A_10 = arith.constant 31 : i32
    %eq3A_11 = arith.cmpi eq, %add3A, %eq3A_10 : i32
    %convert_element_type3A_12 = arith.extui %eq3A_11 : i1 to i32
    %cond3A_13 = arith.constant 0 : i32
    %cond3A_14 = arith.cmpi ne, %convert_element_type3A_12, %cond3A_13 : i32
    scf.if %cond3A_14 {
      "tpu.region"() ({
        %run_scoped3A = tpu.sem_alloc : memref<!tpu.dma_semaphore, #tpu.memory_space<semaphore_mem>>
        %dma_start3A_457 = arith.constant 0 : i32
        %dma_start3A_458 = tpu.memref_slice %arg9[%dma_start3A_457] : memref<320xi32, #tpu.memory_space<vmem>> -> memref<80xi32, #tpu.memory_space<vmem>>
        %dma_start3A_459 = tpu.memref_slice %arg3[%mul3A_2] : memref<10000xi32, #tpu.memory_space<hbm>> -> memref<80xi32, #tpu.memory_space<hbm>>
        %dma_start3A_460 = arith.constant 0 : i32
        %dma_start3A_461 = tpu.memref_slice %arg9[%dma_start3A_460] : memref<320xi32, #tpu.memory_space<vmem>> -> memref<80xi32, #tpu.memory_space<vmem>>
        %dma_start3A_462 = tpu.memref_slice %arg3[%mul3A_2] : memref<10000xi32, #tpu.memory_space<hbm>> -> memref<80xi32, #tpu.memory_space<hbm>>
        tpu.enqueue_dma source(%dma_start3A_462 : memref<80xi32, #tpu.memory_space<hbm>>) target(%dma_start3A_461 : memref<80xi32, #tpu.memory_space<vmem>>) target_semaphore(%run_scoped3A : memref<!tpu.dma_semaphore, #tpu.memory_space<semaphore_mem>>)
        %dma_wait3A_463 = arith.constant 0 : i32
        %dma_wait3A_464 = tpu.memref_slice %arg9[%dma_wait3A_463] : memref<320xi32, #tpu.memory_space<vmem>> -> memref<80xi32, #tpu.memory_space<vmem>>
        %dma_wait3A_465 = tpu.memref_slice %arg3[%mul3A_2] : memref<10000xi32, #tpu.memory_space<hbm>> -> memref<80xi32, #tpu.memory_space<hbm>>
        %dma_wait3A_466 = arith.constant 0 : i32
        %dma_wait3A_467 = tpu.memref_slice %arg9[%dma_wait3A_466] : memref<320xi32, #tpu.memory_space<vmem>> -> memref<80xi32, #tpu.memory_space<vmem>>
        %dma_wait3A_468 = tpu.memref_slice %arg3[%mul3A_2] : memref<10000xi32, #tpu.memory_space<hbm>> -> memref<80xi32, #tpu.memory_space<hbm>>
        tpu.wait_dma2 semaphore(%run_scoped3A : memref<!tpu.dma_semaphore, #tpu.memory_space<semaphore_mem>>) src(%dma_wait3A_468 : memref<80xi32, #tpu.memory_space<hbm>>) dst(%dma_wait3A_467 : memref<80xi32, #tpu.memory_space<vmem>>)
        tpu.yield
      }) : () -> ()
      "tpu.region"() ({
        %run_scoped3A = tpu.sem_alloc : memref<!tpu.dma_semaphore, #tpu.memory_space<semaphore_mem>>
        %dma_start3A_457 = arith.constant 0 : i32
        %dma_start3A_458 = arith.constant 0 : i32
        %dma_start3A_459 = tpu.memref_slice %arg8[%dma_start3A_457, %dma_start3A_458] : memref<320x128xf32, #tpu.memory_space<vmem>> -> memref<80x128xf32, #tpu.memory_space<vmem>>
        %dma_start3A_460 = arith.constant 0 : i32
        %dma_start3A_461 = tpu.memref_slice %arg2[%mul3A_2, %dma_start3A_460] : memref<10000x128xf32, #tpu.memory_space<hbm>> -> memref<80x128xf32, #tpu.memory_space<hbm>>
        %dma_start3A_462 = arith.constant 0 : i32
        %dma_start3A_463 = arith.constant 0 : i32
        %dma_start3A_464 = tpu.memref_slice %arg8[%dma_start3A_462, %dma_start3A_463] : memref<320x128xf32, #tpu.memory_space<vmem>> -> memref<80x128xf32, #tpu.memory_space<vmem>>
        %dma_start3A_465 = arith.constant 0 : i32
        %dma_start3A_466 = tpu.memref_slice %arg2[%mul3A_2, %dma_start3A_465] : memref<10000x128xf32, #tpu.memory_space<hbm>> -> memref<80x128xf32, #tpu.memory_space<hbm>>
        tpu.enqueue_dma source(%dma_start3A_466 : memref<80x128xf32, #tpu.memory_space<hbm>>) target(%dma_start3A_464 : memref<80x128xf32, #tpu.memory_space<vmem>>) target_semaphore(%run_scoped3A : memref<!tpu.dma_semaphore, #tpu.memory_space<semaphore_mem>>)
        %dma_wait3A_467 = arith.constant 0 : i32
        %dma_wait3A_468 = arith.constant 0 : i32
        %dma_wait3A_469 = tpu.memref_slice %arg8[%dma_wait3A_467, %dma_wait3A_468] : memref<320x128xf32, #tpu.memory_space<vmem>> -> memref<80x128xf32, #tpu.memory_space<vmem>>
        %dma_wait3A_470 = arith.constant 0 : i32
        %dma_wait3A_471 = tpu.memref_slice %arg2[%mul3A_2, %dma_wait3A_470] : memref<10000x128xf32, #tpu.memory_space<hbm>> -> memref<80x128xf32, #tpu.memory_space<hbm>>
        %dma_wait3A_472 = arith.constant 0 : i32
        %dma_wait3A_473 = arith.constant 0 : i32
        %dma_wait3A_474 = tpu.memref_slice %arg8[%dma_wait3A_472, %dma_wait3A_473] : memref<320x128xf32, #tpu.memory_space<vmem>> -> memref<80x128xf32, #tpu.memory_space<vmem>>
        %dma_wait3A_475 = arith.constant 0 : i32
        %dma_wait3A_476 = tpu.memref_slice %arg2[%mul3A_2, %dma_wait3A_475] : memref<10000x128xf32, #tpu.memory_space<hbm>> -> memref<80x128xf32, #tpu.memory_space<hbm>>
        tpu.wait_dma2 semaphore(%run_scoped3A : memref<!tpu.dma_semaphore, #tpu.memory_space<semaphore_mem>>) src(%dma_wait3A_476 : memref<80x128xf32, #tpu.memory_space<hbm>>) dst(%dma_wait3A_474 : memref<80x128xf32, #tpu.memory_space<vmem>>)
        tpu.yield
      }) : () -> ()
    } else {
    }
    "tpu.region"() ({
      %run_scoped3A = tpu.sem_alloc : memref<!tpu.dma_semaphore, #tpu.memory_space<semaphore_mem>>
      tpu.enqueue_dma source(%arg5 : memref<72x16xf32, #tpu.memory_space<hbm>>) target(%arg10 : memref<72x16xf32, #tpu.memory_space<vmem>>) target_semaphore(%run_scoped3A : memref<!tpu.dma_semaphore, #tpu.memory_space<semaphore_mem>>)
      tpu.wait_dma2 semaphore(%run_scoped3A : memref<!tpu.dma_semaphore, #tpu.memory_space<semaphore_mem>>) src(%arg5 : memref<72x16xf32, #tpu.memory_space<hbm>>) dst(%arg10 : memref<72x16xf32, #tpu.memory_space<vmem>>)
      tpu.yield
    }) : () -> ()
    %iota3A = tpu.iota {dimensions = array<i32: 0>} : vector<16xi32>
    %broadcast_in_dim3A = arith.constant 1.000000e+00 : f32
    %broadcast_in_dim3A_15 = vector.broadcast %broadcast_in_dim3A : f32 to vector<16xf32>
    %barrier3A = arith.constant 0 : index
    tpu.barrier barrier_id(%barrier3A)
    %get3A = arith.constant 0 : index
    %get3A_16 = tpu.vector_load %arg9[%get3A] {strides = array<i32>} : memref<320xi32, #tpu.memory_space<vmem>>, vector<16xi32>,
    %add3A_17 = arith.constant 0 : i32
    %add3A_18 = vector.broadcast %add3A_17 : i32 to vector<16xi32>
    %add3A_19 = arith.addi %add3A_18, %iota3A : vector<16xi32>
    %lt3A_20 = vector.broadcast %sub3A_3 : i32 to vector<16xi32>
    %lt3A_21 = arith.cmpi slt, %add3A_19, %lt3A_20 : vector<16xi32>
    %jit3A = arith.constant 64 : i32
    %broadcast_in_dim3A_22 = vector.broadcast %jit3A : i32 to vector<16xi32>
    %select_n3A = arith.select %lt3A_21, %get3A_16, %broadcast_in_dim3A_22 : vector<16xi1>, vector<16xi32>
    %dma_start3A = arith.constant 0 : i32
    %dma_start3A_23 = arith.constant 0 : i32
    %dma_start3A_24 = tpu.memref_slice %arg8[%dma_start3A, %dma_start3A_23] : memref<320x128xf32, #tpu.memory_space<vmem>> -> memref<16x128xf32, #tpu.memory_space<vmem>>
    %dma_start3A_25 = arith.constant 0 : i32
    %dma_start3A_26 = arith.constant 0 : i32
    %dma_start3A_27 = tpu.memref_slice %arg11[%dma_start3A_25, %dma_start3A_26] : memref<72x128xf32, #tpu.memory_space<vmem_shared>> -> memref<72x128xf32, #tpu.memory_space<vmem_shared>>
    tpu.enqueue_indirect_dma source(%dma_start3A_24 : memref<16x128xf32, #tpu.memory_space<vmem>>) target(%dma_start3A_27 : memref<72x128xf32, #tpu.memory_space<vmem_shared>>) offsets(%select_n3A : vector<16xi32>) semaphore(%arg12 : memref<!tpu.dma_semaphore, #tpu.memory_space<semaphore_mem>>) {add = true}
    tpu.vector_store_idx %arg10[%select_n3A, %iota3A], %broadcast_in_dim3A_15 {add = true} : memref<72x16xf32, #tpu.memory_space<vmem>>[vector<16xi32>, vector<16xi32>], vector<16xf32>,
    %get3A_28 = arith.constant 16 : index
    %get3A_29 = tpu.vector_load %arg9[%get3A_28] {strides = array<i32>} : memref<320xi32, #tpu.memory_space<vmem>>, vector<16xi32>,
    %add3A_30 = arith.constant 16 : i32
    %add3A_31 = vector.broadcast %add3A_30 : i32 to vector<16xi32>
    %add3A_32 = arith.addi %add3A_31, %iota3A : vector<16xi32>
    %lt3A_33 = vector.broadcast %sub3A_3 : i32 to vector<16xi32>
    %lt3A_34 = arith.cmpi slt, %add3A_32, %lt3A_33 : vector<16xi32>
    %jit3A_35 = arith.constant 64 : i32
    %broadcast_in_dim3A_36 = vector.broadcast %jit3A_35 : i32 to vector<16xi32>
    %select_n3A_37 = arith.select %lt3A_34, %get3A_29, %broadcast_in_dim3A_36 : vector<16xi1>, vector<16xi32>
    %dma_start3A_38 = arith.constant 16 : i32
    %dma_start3A_39 = arith.constant 0 : i32
    %dma_start3A_40 = tpu.memref_slice %arg8[%dma_start3A_38, %dma_start3A_39] : memref<320x128xf32, #tpu.memory_space<vmem>> -> memref<16x128xf32, #tpu.memory_space<vmem>>
    %dma_start3A_41 = arith.constant 0 : i32
    %dma_start3A_42 = arith.constant 0 : i32
    %dma_start3A_43 = tpu.memref_slice %arg11[%dma_start3A_41, %dma_start3A_42] : memref<72x128xf32, #tpu.memory_space<vmem_shared>> -> memref<72x128xf32, #tpu.memory_space<vmem_shared>>
    tpu.enqueue_indirect_dma source(%dma_start3A_40 : memref<16x128xf32, #tpu.memory_space<vmem>>) target(%dma_start3A_43 : memref<72x128xf32, #tpu.memory_space<vmem_shared>>) offsets(%select_n3A_37 : vector<16xi32>) semaphore(%arg12 : memref<!tpu.dma_semaphore, #tpu.memory_space<semaphore_mem>>) {add = true}
    tpu.vector_store_idx %arg10[%select_n3A_37, %iota3A], %broadcast_in_dim3A_15 {add = true} : memref<72x16xf32, #tpu.memory_space<vmem>>[vector<16xi32>, vector<16xi32>], vector<16xf32>,
    %get3A_44 = arith.constant 32 : index
    %get3A_45 = tpu.vector_load %arg9[%get3A_44] {strides = array<i32>} : memref<320xi32, #tpu.memory_space<vmem>>, vector<16xi32>,
    %add3A_46 = arith.constant 32 : i32
    %add3A_47 = vector.broadcast %add3A_46 : i32 to vector<16xi32>
    %add3A_48 = arith.addi %add3A_47, %iota3A : vector<16xi32>
    %lt3A_49 = vector.broadcast %sub3A_3 : i32 to vector<16xi32>
    %lt3A_50 = arith.cmpi slt, %add3A_48, %lt3A_49 : vector<16xi32>
    %jit3A_51 = arith.constant 64 : i32
    %broadcast_in_dim3A_52 = vector.broadcast %jit3A_51 : i32 to vector<16xi32>
    %select_n3A_53 = arith.select %lt3A_50, %get3A_45, %broadcast_in_dim3A_52 : vector<16xi1>, vector<16xi32>
    %dma_start3A_54 = arith.constant 32 : i32
    %dma_start3A_55 = arith.constant 0 : i32
    %dma_start3A_56 = tpu.memref_slice %arg8[%dma_start3A_54, %dma_start3A_55] : memref<320x128xf32, #tpu.memory_space<vmem>> -> memref<16x128xf32, #tpu.memory_space<vmem>>
    %dma_start3A_57 = arith.constant 0 : i32
    %dma_start3A_58 = arith.constant 0 : i32
    %dma_start3A_59 = tpu.memref_slice %arg11[%dma_start3A_57, %dma_start3A_58] : memref<72x128xf32, #tpu.memory_space<vmem_shared>> -> memref<72x128xf32, #tpu.memory_space<vmem_shared>>
    tpu.enqueue_indirect_dma source(%dma_start3A_56 : memref<16x128xf32, #tpu.memory_space<vmem>>) target(%dma_start3A_59 : memref<72x128xf32, #tpu.memory_space<vmem_shared>>) offsets(%select_n3A_53 : vector<16xi32>) semaphore(%arg12 : memref<!tpu.dma_semaphore, #tpu.memory_space<semaphore_mem>>) {add = true}
    tpu.vector_store_idx %arg10[%select_n3A_53, %iota3A], %broadcast_in_dim3A_15 {add = true} : memref<72x16xf32, #tpu.memory_space<vmem>>[vector<16xi32>, vector<16xi32>], vector<16xf32>,
    %get3A_60 = arith.constant 48 : index
    %get3A_61 = tpu.vector_load %arg9[%get3A_60] {strides = array<i32>} : memref<320xi32, #tpu.memory_space<vmem>>, vector<16xi32>,
    %add3A_62 = arith.constant 48 : i32
    %add3A_63 = vector.broadcast %add3A_62 : i32 to vector<16xi32>
    %add3A_64 = arith.addi %add3A_63, %iota3A : vector<16xi32>
    %lt3A_65 = vector.broadcast %sub3A_3 : i32 to vector<16xi32>
    %lt3A_66 = arith.cmpi slt, %add3A_64, %lt3A_65 : vector<16xi32>
    %jit3A_67 = arith.constant 64 : i32
    %broadcast_in_dim3A_68 = vector.broadcast %jit3A_67 : i32 to vector<16xi32>
    %select_n3A_69 = arith.select %lt3A_66, %get3A_61, %broadcast_in_dim3A_68 : vector<16xi1>, vector<16xi32>
    %dma_start3A_70 = arith.constant 48 : i32
    %dma_start3A_71 = arith.constant 0 : i32
    %dma_start3A_72 = tpu.memref_slice %arg8[%dma_start3A_70, %dma_start3A_71] : memref<320x128xf32, #tpu.memory_space<vmem>> -> memref<16x128xf32, #tpu.memory_space<vmem>>
    %dma_start3A_73 = arith.constant 0 : i32
    %dma_start3A_74 = arith.constant 0 : i32
    %dma_start3A_75 = tpu.memref_slice %arg11[%dma_start3A_73, %dma_start3A_74] : memref<72x128xf32, #tpu.memory_space<vmem_shared>> -> memref<72x128xf32, #tpu.memory_space<vmem_shared>>
    tpu.enqueue_indirect_dma source(%dma_start3A_72 : memref<16x128xf32, #tpu.memory_space<vmem>>) target(%dma_start3A_75 : memref<72x128xf32, #tpu.memory_space<vmem_shared>>) offsets(%select_n3A_69 : vector<16xi32>) semaphore(%arg12 : memref<!tpu.dma_semaphore, #tpu.memory_space<semaphore_mem>>) {add = true}
    tpu.vector_store_idx %arg10[%select_n3A_69, %iota3A], %broadcast_in_dim3A_15 {add = true} : memref<72x16xf32, #tpu.memory_space<vmem>>[vector<16xi32>, vector<16xi32>], vector<16xf32>,
    %get3A_76 = arith.constant 64 : index
    %get3A_77 = tpu.vector_load %arg9[%get3A_76] {strides = array<i32>} : memref<320xi32, #tpu.memory_space<vmem>>, vector<16xi32>,
    %add3A_78 = arith.constant 64 : i32
    %add3A_79 = vector.broadcast %add3A_78 : i32 to vector<16xi32>
    %add3A_80 = arith.addi %add3A_79, %iota3A : vector<16xi32>
    %lt3A_81 = vector.broadcast %sub3A_3 : i32 to vector<16xi32>
    %lt3A_82 = arith.cmpi slt, %add3A_80, %lt3A_81 : vector<16xi32>
    %jit3A_83 = arith.constant 64 : i32
    %broadcast_in_dim3A_84 = vector.broadcast %jit3A_83 : i32 to vector<16xi32>
    %select_n3A_85 = arith.select %lt3A_82, %get3A_77, %broadcast_in_dim3A_84 : vector<16xi1>, vector<16xi32>
    %dma_start3A_86 = arith.constant 64 : i32
    %dma_start3A_87 = arith.constant 0 : i32
    %dma_start3A_88 = tpu.memref_slice %arg8[%dma_start3A_86, %dma_start3A_87] : memref<320x128xf32, #tpu.memory_space<vmem>> -> memref<16x128xf32, #tpu.memory_space<vmem>>
    %dma_start3A_89 = arith.constant 0 : i32
    %dma_start3A_90 = arith.constant 0 : i32
    %dma_start3A_91 = tpu.memref_slice %arg11[%dma_start3A_89, %dma_start3A_90] : memref<72x128xf32, #tpu.memory_space<vmem_shared>> -> memref<72x128xf32, #tpu.memory_space<vmem_shared>>
    tpu.enqueue_indirect_dma source(%dma_start3A_88 : memref<16x128xf32, #tpu.memory_space<vmem>>) target(%dma_start3A_91 : memref<72x128xf32, #tpu.memory_space<vmem_shared>>) offsets(%select_n3A_85 : vector<16xi32>) semaphore(%arg12 : memref<!tpu.dma_semaphore, #tpu.memory_space<semaphore_mem>>) {add = true}
    tpu.vector_store_idx %arg10[%select_n3A_85, %iota3A], %broadcast_in_dim3A_15 {add = true} : memref<72x16xf32, #tpu.memory_space<vmem>>[vector<16xi32>, vector<16xi32>], vector<16xf32>,
    %get3A_92 = arith.constant 80 : index
    %get3A_93 = tpu.vector_load %arg9[%get3A_92] {strides = array<i32>} : memref<320xi32, #tpu.memory_space<vmem>>, vector<16xi32>,
    %add3A_94 = arith.constant 80 : i32
    %add3A_95 = vector.broadcast %add3A_94 : i32 to vector<16xi32>
    %add3A_96 = arith.addi %add3A_95, %iota3A : vector<16xi32>
    %lt3A_97 = vector.broadcast %sub3A_3 : i32 to vector<16xi32>
    %lt3A_98 = arith.cmpi slt, %add3A_96, %lt3A_97 : vector<16xi32>
    %jit3A_99 = arith.constant 64 : i32
    %broadcast_in_dim3A_100 = vector.broadcast %jit3A_99 : i32 to vector<16xi32>
    %select_n3A_101 = arith.select %lt3A_98, %get3A_93, %broadcast_in_dim3A_100 : vector<16xi1>, vector<16xi32>
    %dma_start3A_102 = arith.constant 80 : i32
    %dma_start3A_103 = arith.constant 0 : i32
    %dma_start3A_104 = tpu.memref_slice %arg8[%dma_start3A_102, %dma_start3A_103] : memref<320x128xf32, #tpu.memory_space<vmem>> -> memref<16x128xf32, #tpu.memory_space<vmem>>
    %dma_start3A_105 = arith.constant 0 : i32
    %dma_start3A_106 = arith.constant 0 : i32
    %dma_start3A_107 = tpu.memref_slice %arg11[%dma_start3A_105, %dma_start3A_106] : memref<72x128xf32, #tpu.memory_space<vmem_shared>> -> memref<72x128xf32, #tpu.memory_space<vmem_shared>>
    tpu.enqueue_indirect_dma source(%dma_start3A_104 : memref<16x128xf32, #tpu.memory_space<vmem>>) target(%dma_start3A_107 : memref<72x128xf32, #tpu.memory_space<vmem_shared>>) offsets(%select_n3A_101 : vector<16xi32>) semaphore(%arg12 : memref<!tpu.dma_semaphore, #tpu.memory_space<semaphore_mem>>) {add = true}
    tpu.vector_store_idx %arg10[%select_n3A_101, %iota3A], %broadcast_in_dim3A_15 {add = true} : memref<72x16xf32, #tpu.memory_space<vmem>>[vector<16xi32>, vector<16xi32>], vector<16xf32>,
    %get3A_108 = arith.constant 96 : index
    %get3A_109 = tpu.vector_load %arg9[%get3A_108] {strides = array<i32>} : memref<320xi32, #tpu.memory_space<vmem>>, vector<16xi32>,
    %add3A_110 = arith.constant 96 : i32
    %add3A_111 = vector.broadcast %add3A_110 : i32 to vector<16xi32>
    %add3A_112 = arith.addi %add3A_111, %iota3A : vector<16xi32>
    %lt3A_113 = vector.broadcast %sub3A_3 : i32 to vector<16xi32>
    %lt3A_114 = arith.cmpi slt, %add3A_112, %lt3A_113 : vector<16xi32>
    %jit3A_115 = arith.constant 64 : i32
    %broadcast_in_dim3A_116 = vector.broadcast %jit3A_115 : i32 to vector<16xi32>
    %select_n3A_117 = arith.select %lt3A_114, %get3A_109, %broadcast_in_dim3A_116 : vector<16xi1>, vector<16xi32>
    %dma_start3A_118 = arith.constant 96 : i32
    %dma_start3A_119 = arith.constant 0 : i32
    %dma_start3A_120 = tpu.memref_slice %arg8[%dma_start3A_118, %dma_start3A_119] : memref<320x128xf32, #tpu.memory_space<vmem>> -> memref<16x128xf32, #tpu.memory_space<vmem>>
    %dma_start3A_121 = arith.constant 0 : i32
    %dma_start3A_122 = arith.constant 0 : i32
    %dma_start3A_123 = tpu.memref_slice %arg11[%dma_start3A_121, %dma_start3A_122] : memref<72x128xf32, #tpu.memory_space<vmem_shared>> -> memref<72x128xf32, #tpu.memory_space<vmem_shared>>
    tpu.enqueue_indirect_dma source(%dma_start3A_120 : memref<16x128xf32, #tpu.memory_space<vmem>>) target(%dma_start3A_123 : memref<72x128xf32, #tpu.memory_space<vmem_shared>>) offsets(%select_n3A_117 : vector<16xi32>) semaphore(%arg12 : memref<!tpu.dma_semaphore, #tpu.memory_space<semaphore_mem>>) {add = true}
    tpu.vector_store_idx %arg10[%select_n3A_117, %iota3A], %broadcast_in_dim3A_15 {add = true} : memref<72x16xf32, #tpu.memory_space<vmem>>[vector<16xi32>, vector<16xi32>], vector<16xf32>,
    %get3A_124 = arith.constant 112 : index
    %get3A_125 = tpu.vector_load %arg9[%get3A_124] {strides = array<i32>} : memref<320xi32, #tpu.memory_space<vmem>>, vector<16xi32>,
    %add3A_126 = arith.constant 112 : i32
    %add3A_127 = vector.broadcast %add3A_126 : i32 to vector<16xi32>
    %add3A_128 = arith.addi %add3A_127, %iota3A : vector<16xi32>
    %lt3A_129 = vector.broadcast %sub3A_3 : i32 to vector<16xi32>
    %lt3A_130 = arith.cmpi slt, %add3A_128, %lt3A_129 : vector<16xi32>
    %jit3A_131 = arith.constant 64 : i32
    %broadcast_in_dim3A_132 = vector.broadcast %jit3A_131 : i32 to vector<16xi32>
    %select_n3A_133 = arith.select %lt3A_130, %get3A_125, %broadcast_in_dim3A_132 : vector<16xi1>, vector<16xi32>
    %dma_start3A_134 = arith.constant 112 : i32
    %dma_start3A_135 = arith.constant 0 : i32
    %dma_start3A_136 = tpu.memref_slice %arg8[%dma_start3A_134, %dma_start3A_135] : memref<320x128xf32, #tpu.memory_space<vmem>> -> memref<16x128xf32, #tpu.memory_space<vmem>>
    %dma_start3A_137 = arith.constant 0 : i32
    %dma_start3A_138 = arith.constant 0 : i32
    %dma_start3A_139 = tpu.memref_slice %arg11[%dma_start3A_137, %dma_start3A_138] : memref<72x128xf32, #tpu.memory_space<vmem_shared>> -> memref<72x128xf32, #tpu.memory_space<vmem_shared>>
    tpu.enqueue_indirect_dma source(%dma_start3A_136 : memref<16x128xf32, #tpu.memory_space<vmem>>) target(%dma_start3A_139 : memref<72x128xf32, #tpu.memory_space<vmem_shared>>) offsets(%select_n3A_133 : vector<16xi32>) semaphore(%arg12 : memref<!tpu.dma_semaphore, #tpu.memory_space<semaphore_mem>>) {add = true}
    tpu.vector_store_idx %arg10[%select_n3A_133, %iota3A], %broadcast_in_dim3A_15 {add = true} : memref<72x16xf32, #tpu.memory_space<vmem>>[vector<16xi32>, vector<16xi32>], vector<16xf32>,
    %get3A_140 = arith.constant 128 : index
    %get3A_141 = tpu.vector_load %arg9[%get3A_140] {strides = array<i32>} : memref<320xi32, #tpu.memory_space<vmem>>, vector<16xi32>,
    %add3A_142 = arith.constant 128 : i32
    %add3A_143 = vector.broadcast %add3A_142 : i32 to vector<16xi32>
    %add3A_144 = arith.addi %add3A_143, %iota3A : vector<16xi32>
    %lt3A_145 = vector.broadcast %sub3A_3 : i32 to vector<16xi32>
    %lt3A_146 = arith.cmpi slt, %add3A_144, %lt3A_145 : vector<16xi32>
    %jit3A_147 = arith.constant 64 : i32
    %broadcast_in_dim3A_148 = vector.broadcast %jit3A_147 : i32 to vector<16xi32>
    %select_n3A_149 = arith.select %lt3A_146, %get3A_141, %broadcast_in_dim3A_148 : vector<16xi1>, vector<16xi32>
    %dma_start3A_150 = arith.constant 128 : i32
    %dma_start3A_151 = arith.constant 0 : i32
    %dma_start3A_152 = tpu.memref_slice %arg8[%dma_start3A_150, %dma_start3A_151] : memref<320x128xf32, #tpu.memory_space<vmem>> -> memref<16x128xf32, #tpu.memory_space<vmem>>
    %dma_start3A_153 = arith.constant 0 : i32
    %dma_start3A_154 = arith.constant 0 : i32
    %dma_start3A_155 = tpu.memref_slice %arg11[%dma_start3A_153, %dma_start3A_154] : memref<72x128xf32, #tpu.memory_space<vmem_shared>> -> memref<72x128xf32, #tpu.memory_space<vmem_shared>>
    tpu.enqueue_indirect_dma source(%dma_start3A_152 : memref<16x128xf32, #tpu.memory_space<vmem>>) target(%dma_start3A_155 : memref<72x128xf32, #tpu.memory_space<vmem_shared>>) offsets(%select_n3A_149 : vector<16xi32>) semaphore(%arg12 : memref<!tpu.dma_semaphore, #tpu.memory_space<semaphore_mem>>) {add = true}
    tpu.vector_store_idx %arg10[%select_n3A_149, %iota3A], %broadcast_in_dim3A_15 {add = true} : memref<72x16xf32, #tpu.memory_space<vmem>>[vector<16xi32>, vector<16xi32>], vector<16xf32>,
    %get3A_156 = arith.constant 144 : index
    %get3A_157 = tpu.vector_load %arg9[%get3A_156] {strides = array<i32>} : memref<320xi32, #tpu.memory_space<vmem>>, vector<16xi32>,
    %add3A_158 = arith.constant 144 : i32
    %add3A_159 = vector.broadcast %add3A_158 : i32 to vector<16xi32>
    %add3A_160 = arith.addi %add3A_159, %iota3A : vector<16xi32>
    %lt3A_161 = vector.broadcast %sub3A_3 : i32 to vector<16xi32>
    %lt3A_162 = arith.cmpi slt, %add3A_160, %lt3A_161 : vector<16xi32>
    %jit3A_163 = arith.constant 64 : i32
    %broadcast_in_dim3A_164 = vector.broadcast %jit3A_163 : i32 to vector<16xi32>
    %select_n3A_165 = arith.select %lt3A_162, %get3A_157, %broadcast_in_dim3A_164 : vector<16xi1>, vector<16xi32>
    %dma_start3A_166 = arith.constant 144 : i32
    %dma_start3A_167 = arith.constant 0 : i32
    %dma_start3A_168 = tpu.memref_slice %arg8[%dma_start3A_166, %dma_start3A_167] : memref<320x128xf32, #tpu.memory_space<vmem>> -> memref<16x128xf32, #tpu.memory_space<vmem>>
    %dma_start3A_169 = arith.constant 0 : i32
    %dma_start3A_170 = arith.constant 0 : i32
    %dma_start3A_171 = tpu.memref_slice %arg11[%dma_start3A_169, %dma_start3A_170] : memref<72x128xf32, #tpu.memory_space<vmem_shared>> -> memref<72x128xf32, #tpu.memory_space<vmem_shared>>
    tpu.enqueue_indirect_dma source(%dma_start3A_168 : memref<16x128xf32, #tpu.memory_space<vmem>>) target(%dma_start3A_171 : memref<72x128xf32, #tpu.memory_space<vmem_shared>>) offsets(%select_n3A_165 : vector<16xi32>) semaphore(%arg12 : memref<!tpu.dma_semaphore, #tpu.memory_space<semaphore_mem>>) {add = true}
    tpu.vector_store_idx %arg10[%select_n3A_165, %iota3A], %broadcast_in_dim3A_15 {add = true} : memref<72x16xf32, #tpu.memory_space<vmem>>[vector<16xi32>, vector<16xi32>], vector<16xf32>,
    %get3A_172 = arith.constant 160 : index
    %get3A_173 = tpu.vector_load %arg9[%get3A_172] {strides = array<i32>} : memref<320xi32, #tpu.memory_space<vmem>>, vector<16xi32>,
    %add3A_174 = arith.constant 160 : i32
    %add3A_175 = vector.broadcast %add3A_174 : i32 to vector<16xi32>
    %add3A_176 = arith.addi %add3A_175, %iota3A : vector<16xi32>
    %lt3A_177 = vector.broadcast %sub3A_3 : i32 to vector<16xi32>
    %lt3A_178 = arith.cmpi slt, %add3A_176, %lt3A_177 : vector<16xi32>
    %jit3A_179 = arith.constant 64 : i32
    %broadcast_in_dim3A_180 = vector.broadcast %jit3A_179 : i32 to vector<16xi32>
    %select_n3A_181 = arith.select %lt3A_178, %get3A_173, %broadcast_in_dim3A_180 : vector<16xi1>, vector<16xi32>
    %dma_start3A_182 = arith.constant 160 : i32
    %dma_start3A_183 = arith.constant 0 : i32
    %dma_start3A_184 = tpu.memref_slice %arg8[%dma_start3A_182, %dma_start3A_183] : memref<320x128xf32, #tpu.memory_space<vmem>> -> memref<16x128xf32, #tpu.memory_space<vmem>>
    %dma_start3A_185 = arith.constant 0 : i32
    %dma_start3A_186 = arith.constant 0 : i32
    %dma_start3A_187 = tpu.memref_slice %arg11[%dma_start3A_185, %dma_start3A_186] : memref<72x128xf32, #tpu.memory_space<vmem_shared>> -> memref<72x128xf32, #tpu.memory_space<vmem_shared>>
    tpu.enqueue_indirect_dma source(%dma_start3A_184 : memref<16x128xf32, #tpu.memory_space<vmem>>) target(%dma_start3A_187 : memref<72x128xf32, #tpu.memory_space<vmem_shared>>) offsets(%select_n3A_181 : vector<16xi32>) semaphore(%arg12 : memref<!tpu.dma_semaphore, #tpu.memory_space<semaphore_mem>>) {add = true}
    tpu.vector_store_idx %arg10[%select_n3A_181, %iota3A], %broadcast_in_dim3A_15 {add = true} : memref<72x16xf32, #tpu.memory_space<vmem>>[vector<16xi32>, vector<16xi32>], vector<16xf32>,
    %get3A_188 = arith.constant 176 : index
    %get3A_189 = tpu.vector_load %arg9[%get3A_188] {strides = array<i32>} : memref<320xi32, #tpu.memory_space<vmem>>, vector<16xi32>,
    %add3A_190 = arith.constant 176 : i32
    %add3A_191 = vector.broadcast %add3A_190 : i32 to vector<16xi32>
    %add3A_192 = arith.addi %add3A_191, %iota3A : vector<16xi32>
    %lt3A_193 = vector.broadcast %sub3A_3 : i32 to vector<16xi32>
    %lt3A_194 = arith.cmpi slt, %add3A_192, %lt3A_193 : vector<16xi32>
    %jit3A_195 = arith.constant 64 : i32
    %broadcast_in_dim3A_196 = vector.broadcast %jit3A_195 : i32 to vector<16xi32>
    %select_n3A_197 = arith.select %lt3A_194, %get3A_189, %broadcast_in_dim3A_196 : vector<16xi1>, vector<16xi32>
    %dma_start3A_198 = arith.constant 176 : i32
    %dma_start3A_199 = arith.constant 0 : i32
    %dma_start3A_200 = tpu.memref_slice %arg8[%dma_start3A_198, %dma_start3A_199] : memref<320x128xf32, #tpu.memory_space<vmem>> -> memref<16x128xf32, #tpu.memory_space<vmem>>
    %dma_start3A_201 = arith.constant 0 : i32
    %dma_start3A_202 = arith.constant 0 : i32
    %dma_start3A_203 = tpu.memref_slice %arg11[%dma_start3A_201, %dma_start3A_202] : memref<72x128xf32, #tpu.memory_space<vmem_shared>> -> memref<72x128xf32, #tpu.memory_space<vmem_shared>>
    tpu.enqueue_indirect_dma source(%dma_start3A_200 : memref<16x128xf32, #tpu.memory_space<vmem>>) target(%dma_start3A_203 : memref<72x128xf32, #tpu.memory_space<vmem_shared>>) offsets(%select_n3A_197 : vector<16xi32>) semaphore(%arg12 : memref<!tpu.dma_semaphore, #tpu.memory_space<semaphore_mem>>) {add = true}
    tpu.vector_store_idx %arg10[%select_n3A_197, %iota3A], %broadcast_in_dim3A_15 {add = true} : memref<72x16xf32, #tpu.memory_space<vmem>>[vector<16xi32>, vector<16xi32>], vector<16xf32>,
    %get3A_204 = arith.constant 192 : index
    %get3A_205 = tpu.vector_load %arg9[%get3A_204] {strides = array<i32>} : memref<320xi32, #tpu.memory_space<vmem>>, vector<16xi32>,
    %add3A_206 = arith.constant 192 : i32
    %add3A_207 = vector.broadcast %add3A_206 : i32 to vector<16xi32>
    %add3A_208 = arith.addi %add3A_207, %iota3A : vector<16xi32>
    %lt3A_209 = vector.broadcast %sub3A_3 : i32 to vector<16xi32>
    %lt3A_210 = arith.cmpi slt, %add3A_208, %lt3A_209 : vector<16xi32>
    %jit3A_211 = arith.constant 64 : i32
    %broadcast_in_dim3A_212 = vector.broadcast %jit3A_211 : i32 to vector<16xi32>
    %select_n3A_213 = arith.select %lt3A_210, %get3A_205, %broadcast_in_dim3A_212 : vector<16xi1>, vector<16xi32>
    %dma_start3A_214 = arith.constant 192 : i32
    %dma_start3A_215 = arith.constant 0 : i32
    %dma_start3A_216 = tpu.memref_slice %arg8[%dma_start3A_214, %dma_start3A_215] : memref<320x128xf32, #tpu.memory_space<vmem>> -> memref<16x128xf32, #tpu.memory_space<vmem>>
    %dma_start3A_217 = arith.constant 0 : i32
    %dma_start3A_218 = arith.constant 0 : i32
    %dma_start3A_219 = tpu.memref_slice %arg11[%dma_start3A_217, %dma_start3A_218] : memref<72x128xf32, #tpu.memory_space<vmem_shared>> -> memref<72x128xf32, #tpu.memory_space<vmem_shared>>
    tpu.enqueue_indirect_dma source(%dma_start3A_216 : memref<16x128xf32, #tpu.memory_space<vmem>>) target(%dma_start3A_219 : memref<72x128xf32, #tpu.memory_space<vmem_shared>>) offsets(%select_n3A_213 : vector<16xi32>) semaphore(%arg12 : memref<!tpu.dma_semaphore, #tpu.memory_space<semaphore_mem>>) {add = true}
    tpu.vector_store_idx %arg10[%select_n3A_213, %iota3A], %broadcast_in_dim3A_15 {add = true} : memref<72x16xf32, #tpu.memory_space<vmem>>[vector<16xi32>, vector<16xi32>], vector<16xf32>,
    %get3A_220 = arith.constant 208 : index
    %get3A_221 = tpu.vector_load %arg9[%get3A_220] {strides = array<i32>} : memref<320xi32, #tpu.memory_space<vmem>>, vector<16xi32>,
    %add3A_222 = arith.constant 208 : i32
    %add3A_223 = vector.broadcast %add3A_222 : i32 to vector<16xi32>
    %add3A_224 = arith.addi %add3A_223, %iota3A : vector<16xi32>
    %lt3A_225 = vector.broadcast %sub3A_3 : i32 to vector<16xi32>
    %lt3A_226 = arith.cmpi slt, %add3A_224, %lt3A_225 : vector<16xi32>
    %jit3A_227 = arith.constant 64 : i32
    %broadcast_in_dim3A_228 = vector.broadcast %jit3A_227 : i32 to vector<16xi32>
    %select_n3A_229 = arith.select %lt3A_226, %get3A_221, %broadcast_in_dim3A_228 : vector<16xi1>, vector<16xi32>
    %dma_start3A_230 = arith.constant 208 : i32
    %dma_start3A_231 = arith.constant 0 : i32
    %dma_start3A_232 = tpu.memref_slice %arg8[%dma_start3A_230, %dma_start3A_231] : memref<320x128xf32, #tpu.memory_space<vmem>> -> memref<16x128xf32, #tpu.memory_space<vmem>>
    %dma_start3A_233 = arith.constant 0 : i32
    %dma_start3A_234 = arith.constant 0 : i32
    %dma_start3A_235 = tpu.memref_slice %arg11[%dma_start3A_233, %dma_start3A_234] : memref<72x128xf32, #tpu.memory_space<vmem_shared>> -> memref<72x128xf32, #tpu.memory_space<vmem_shared>>
    tpu.enqueue_indirect_dma source(%dma_start3A_232 : memref<16x128xf32, #tpu.memory_space<vmem>>) target(%dma_start3A_235 : memref<72x128xf32, #tpu.memory_space<vmem_shared>>) offsets(%select_n3A_229 : vector<16xi32>) semaphore(%arg12 : memref<!tpu.dma_semaphore, #tpu.memory_space<semaphore_mem>>) {add = true}
    tpu.vector_store_idx %arg10[%select_n3A_229, %iota3A], %broadcast_in_dim3A_15 {add = true} : memref<72x16xf32, #tpu.memory_space<vmem>>[vector<16xi32>, vector<16xi32>], vector<16xf32>,
    %get3A_236 = arith.constant 224 : index
    %get3A_237 = tpu.vector_load %arg9[%get3A_236] {strides = array<i32>} : memref<320xi32, #tpu.memory_space<vmem>>, vector<16xi32>,
    %add3A_238 = arith.constant 224 : i32
    %add3A_239 = vector.broadcast %add3A_238 : i32 to vector<16xi32>
    %add3A_240 = arith.addi %add3A_239, %iota3A : vector<16xi32>
    %lt3A_241 = vector.broadcast %sub3A_3 : i32 to vector<16xi32>
    %lt3A_242 = arith.cmpi slt, %add3A_240, %lt3A_241 : vector<16xi32>
    %jit3A_243 = arith.constant 64 : i32
    %broadcast_in_dim3A_244 = vector.broadcast %jit3A_243 : i32 to vector<16xi32>
    %select_n3A_245 = arith.select %lt3A_242, %get3A_237, %broadcast_in_dim3A_244 : vector<16xi1>, vector<16xi32>
    %dma_start3A_246 = arith.constant 224 : i32
    %dma_start3A_247 = arith.constant 0 : i32
    %dma_start3A_248 = tpu.memref_slice %arg8[%dma_start3A_246, %dma_start3A_247] : memref<320x128xf32, #tpu.memory_space<vmem>> -> memref<16x128xf32, #tpu.memory_space<vmem>>
    %dma_start3A_249 = arith.constant 0 : i32
    %dma_start3A_250 = arith.constant 0 : i32
    %dma_start3A_251 = tpu.memref_slice %arg11[%dma_start3A_249, %dma_start3A_250] : memref<72x128xf32, #tpu.memory_space<vmem_shared>> -> memref<72x128xf32, #tpu.memory_space<vmem_shared>>
    tpu.enqueue_indirect_dma source(%dma_start3A_248 : memref<16x128xf32, #tpu.memory_space<vmem>>) target(%dma_start3A_251 : memref<72x128xf32, #tpu.memory_space<vmem_shared>>) offsets(%select_n3A_245 : vector<16xi32>) semaphore(%arg12 : memref<!tpu.dma_semaphore, #tpu.memory_space<semaphore_mem>>) {add = true}
    tpu.vector_store_idx %arg10[%select_n3A_245, %iota3A], %broadcast_in_dim3A_15 {add = true} : memref<72x16xf32, #tpu.memory_space<vmem>>[vector<16xi32>, vector<16xi32>], vector<16xf32>,
    %get3A_252 = arith.constant 240 : index
    %get3A_253 = tpu.vector_load %arg9[%get3A_252] {strides = array<i32>} : memref<320xi32, #tpu.memory_space<vmem>>, vector<16xi32>,
    %add3A_254 = arith.constant 240 : i32
    %add3A_255 = vector.broadcast %add3A_254 : i32 to vector<16xi32>
    %add3A_256 = arith.addi %add3A_255, %iota3A : vector<16xi32>
    %lt3A_257 = vector.broadcast %sub3A_3 : i32 to vector<16xi32>
    %lt3A_258 = arith.cmpi slt, %add3A_256, %lt3A_257 : vector<16xi32>
    %jit3A_259 = arith.constant 64 : i32
    %broadcast_in_dim3A_260 = vector.broadcast %jit3A_259 : i32 to vector<16xi32>
    %select_n3A_261 = arith.select %lt3A_258, %get3A_253, %broadcast_in_dim3A_260 : vector<16xi1>, vector<16xi32>
    %dma_start3A_262 = arith.constant 240 : i32
    %dma_start3A_263 = arith.constant 0 : i32
    %dma_start3A_264 = tpu.memref_slice %arg8[%dma_start3A_262, %dma_start3A_263] : memref<320x128xf32, #tpu.memory_space<vmem>> -> memref<16x128xf32, #tpu.memory_space<vmem>>
    %dma_start3A_265 = arith.constant 0 : i32
    %dma_start3A_266 = arith.constant 0 : i32
    %dma_start3A_267 = tpu.memref_slice %arg11[%dma_start3A_265, %dma_start3A_266] : memref<72x128xf32, #tpu.memory_space<vmem_shared>> -> memref<72x128xf32, #tpu.memory_space<vmem_shared>>
    tpu.enqueue_indirect_dma source(%dma_start3A_264 : memref<16x128xf32, #tpu.memory_space<vmem>>) target(%dma_start3A_267 : memref<72x128xf32, #tpu.memory_space<vmem_shared>>) offsets(%select_n3A_261 : vector<16xi32>) semaphore(%arg12 : memref<!tpu.dma_semaphore, #tpu.memory_space<semaphore_mem>>) {add = true}
    tpu.vector_store_idx %arg10[%select_n3A_261, %iota3A], %broadcast_in_dim3A_15 {add = true} : memref<72x16xf32, #tpu.memory_space<vmem>>[vector<16xi32>, vector<16xi32>], vector<16xf32>,
    %get3A_268 = arith.constant 256 : index
    %get3A_269 = tpu.vector_load %arg9[%get3A_268] {strides = array<i32>} : memref<320xi32, #tpu.memory_space<vmem>>, vector<16xi32>,
    %add3A_270 = arith.constant 256 : i32
    %add3A_271 = vector.broadcast %add3A_270 : i32 to vector<16xi32>
    %add3A_272 = arith.addi %add3A_271, %iota3A : vector<16xi32>
    %lt3A_273 = vector.broadcast %sub3A_3 : i32 to vector<16xi32>
    %lt3A_274 = arith.cmpi slt, %add3A_272, %lt3A_273 : vector<16xi32>
    %jit3A_275 = arith.constant 64 : i32
    %broadcast_in_dim3A_276 = vector.broadcast %jit3A_275 : i32 to vector<16xi32>
    %select_n3A_277 = arith.select %lt3A_274, %get3A_269, %broadcast_in_dim3A_276 : vector<16xi1>, vector<16xi32>
    %dma_start3A_278 = arith.constant 256 : i32
    %dma_start3A_279 = arith.constant 0 : i32
    %dma_start3A_280 = tpu.memref_slice %arg8[%dma_start3A_278, %dma_start3A_279] : memref<320x128xf32, #tpu.memory_space<vmem>> -> memref<16x128xf32, #tpu.memory_space<vmem>>
    %dma_start3A_281 = arith.constant 0 : i32
    %dma_start3A_282 = arith.constant 0 : i32
    %dma_start3A_283 = tpu.memref_slice %arg11[%dma_start3A_281, %dma_start3A_282] : memref<72x128xf32, #tpu.memory_space<vmem_shared>> -> memref<72x128xf32, #tpu.memory_space<vmem_shared>>
    tpu.enqueue_indirect_dma source(%dma_start3A_280 : memref<16x128xf32, #tpu.memory_space<vmem>>) target(%dma_start3A_283 : memref<72x128xf32, #tpu.memory_space<vmem_shared>>) offsets(%select_n3A_277 : vector<16xi32>) semaphore(%arg12 : memref<!tpu.dma_semaphore, #tpu.memory_space<semaphore_mem>>) {add = true}
    tpu.vector_store_idx %arg10[%select_n3A_277, %iota3A], %broadcast_in_dim3A_15 {add = true} : memref<72x16xf32, #tpu.memory_space<vmem>>[vector<16xi32>, vector<16xi32>], vector<16xf32>,
    %get3A_284 = arith.constant 272 : index
    %get3A_285 = tpu.vector_load %arg9[%get3A_284] {strides = array<i32>} : memref<320xi32, #tpu.memory_space<vmem>>, vector<16xi32>,
    %add3A_286 = arith.constant 272 : i32
    %add3A_287 = vector.broadcast %add3A_286 : i32 to vector<16xi32>
    %add3A_288 = arith.addi %add3A_287, %iota3A : vector<16xi32>
    %lt3A_289 = vector.broadcast %sub3A_3 : i32 to vector<16xi32>
    %lt3A_290 = arith.cmpi slt, %add3A_288, %lt3A_289 : vector<16xi32>
    %jit3A_291 = arith.constant 64 : i32
    %broadcast_in_dim3A_292 = vector.broadcast %jit3A_291 : i32 to vector<16xi32>
    %select_n3A_293 = arith.select %lt3A_290, %get3A_285, %broadcast_in_dim3A_292 : vector<16xi1>, vector<16xi32>
    %dma_start3A_294 = arith.constant 272 : i32
    %dma_start3A_295 = arith.constant 0 : i32
    %dma_start3A_296 = tpu.memref_slice %arg8[%dma_start3A_294, %dma_start3A_295] : memref<320x128xf32, #tpu.memory_space<vmem>> -> memref<16x128xf32, #tpu.memory_space<vmem>>
    %dma_start3A_297 = arith.constant 0 : i32
    %dma_start3A_298 = arith.constant 0 : i32
    %dma_start3A_299 = tpu.memref_slice %arg11[%dma_start3A_297, %dma_start3A_298] : memref<72x128xf32, #tpu.memory_space<vmem_shared>> -> memref<72x128xf32, #tpu.memory_space<vmem_shared>>
    tpu.enqueue_indirect_dma source(%dma_start3A_296 : memref<16x128xf32, #tpu.memory_space<vmem>>) target(%dma_start3A_299 : memref<72x128xf32, #tpu.memory_space<vmem_shared>>) offsets(%select_n3A_293 : vector<16xi32>) semaphore(%arg12 : memref<!tpu.dma_semaphore, #tpu.memory_space<semaphore_mem>>) {add = true}
    tpu.vector_store_idx %arg10[%select_n3A_293, %iota3A], %broadcast_in_dim3A_15 {add = true} : memref<72x16xf32, #tpu.memory_space<vmem>>[vector<16xi32>, vector<16xi32>], vector<16xf32>,
    %get3A_300 = arith.constant 288 : index
    %get3A_301 = tpu.vector_load %arg9[%get3A_300] {strides = array<i32>} : memref<320xi32, #tpu.memory_space<vmem>>, vector<16xi32>,
    %add3A_302 = arith.constant 288 : i32
    %add3A_303 = vector.broadcast %add3A_302 : i32 to vector<16xi32>
    %add3A_304 = arith.addi %add3A_303, %iota3A : vector<16xi32>
    %lt3A_305 = vector.broadcast %sub3A_3 : i32 to vector<16xi32>
    %lt3A_306 = arith.cmpi slt, %add3A_304, %lt3A_305 : vector<16xi32>
    %jit3A_307 = arith.constant 64 : i32
    %broadcast_in_dim3A_308 = vector.broadcast %jit3A_307 : i32 to vector<16xi32>
    %select_n3A_309 = arith.select %lt3A_306, %get3A_301, %broadcast_in_dim3A_308 : vector<16xi1>, vector<16xi32>
    %dma_start3A_310 = arith.constant 288 : i32
    %dma_start3A_311 = arith.constant 0 : i32
    %dma_start3A_312 = tpu.memref_slice %arg8[%dma_start3A_310, %dma_start3A_311] : memref<320x128xf32, #tpu.memory_space<vmem>> -> memref<16x128xf32, #tpu.memory_space<vmem>>
    %dma_start3A_313 = arith.constant 0 : i32
    %dma_start3A_314 = arith.constant 0 : i32
    %dma_start3A_315 = tpu.memref_slice %arg11[%dma_start3A_313, %dma_start3A_314] : memref<72x128xf32, #tpu.memory_space<vmem_shared>> -> memref<72x128xf32, #tpu.memory_space<vmem_shared>>
    tpu.enqueue_indirect_dma source(%dma_start3A_312 : memref<16x128xf32, #tpu.memory_space<vmem>>) target(%dma_start3A_315 : memref<72x128xf32, #tpu.memory_space<vmem_shared>>) offsets(%select_n3A_309 : vector<16xi32>) semaphore(%arg12 : memref<!tpu.dma_semaphore, #tpu.memory_space<semaphore_mem>>) {add = true}
    tpu.vector_store_idx %arg10[%select_n3A_309, %iota3A], %broadcast_in_dim3A_15 {add = true} : memref<72x16xf32, #tpu.memory_space<vmem>>[vector<16xi32>, vector<16xi32>], vector<16xf32>,
    %get3A_316 = arith.constant 304 : index
    %get3A_317 = tpu.vector_load %arg9[%get3A_316] {strides = array<i32>} : memref<320xi32, #tpu.memory_space<vmem>>, vector<16xi32>,
    %add3A_318 = arith.constant 304 : i32
    %add3A_319 = vector.broadcast %add3A_318 : i32 to vector<16xi32>
    %add3A_320 = arith.addi %add3A_319, %iota3A : vector<16xi32>
    %lt3A_321 = vector.broadcast %sub3A_3 : i32 to vector<16xi32>
    %lt3A_322 = arith.cmpi slt, %add3A_320, %lt3A_321 : vector<16xi32>
    %jit3A_323 = arith.constant 64 : i32
    %broadcast_in_dim3A_324 = vector.broadcast %jit3A_323 : i32 to vector<16xi32>
    %select_n3A_325 = arith.select %lt3A_322, %get3A_317, %broadcast_in_dim3A_324 : vector<16xi1>, vector<16xi32>
    %dma_start3A_326 = arith.constant 304 : i32
    %dma_start3A_327 = arith.constant 0 : i32
    %dma_start3A_328 = tpu.memref_slice %arg8[%dma_start3A_326, %dma_start3A_327] : memref<320x128xf32, #tpu.memory_space<vmem>> -> memref<16x128xf32, #tpu.memory_space<vmem>>
    %dma_start3A_329 = arith.constant 0 : i32
    %dma_start3A_330 = arith.constant 0 : i32
    %dma_start3A_331 = tpu.memref_slice %arg11[%dma_start3A_329, %dma_start3A_330] : memref<72x128xf32, #tpu.memory_space<vmem_shared>> -> memref<72x128xf32, #tpu.memory_space<vmem_shared>>
    tpu.enqueue_indirect_dma source(%dma_start3A_328 : memref<16x128xf32, #tpu.memory_space<vmem>>) target(%dma_start3A_331 : memref<72x128xf32, #tpu.memory_space<vmem_shared>>) offsets(%select_n3A_325 : vector<16xi32>) semaphore(%arg12 : memref<!tpu.dma_semaphore, #tpu.memory_space<semaphore_mem>>) {add = true}
    tpu.vector_store_idx %arg10[%select_n3A_325, %iota3A], %broadcast_in_dim3A_15 {add = true} : memref<72x16xf32, #tpu.memory_space<vmem>>[vector<16xi32>, vector<16xi32>], vector<16xf32>,
    "tpu.region"() ({
      %run_scoped3A = tpu.sem_alloc : memref<!tpu.dma_semaphore, #tpu.memory_space<semaphore_mem>>
      %dma_start3A_457 = arith.constant 0 : i32
      %dma_start3A_458 = arith.constant 0 : i32
      %dma_start3A_459 = tpu.memref_slice %arg7[%add3A, %dma_start3A_457, %dma_start3A_458] : memref<32x72x16xf32, #tpu.memory_space<hbm>> -> memref<1x72x16xf32, #tpu.memory_space<hbm>>
      %dma_start3A_460 = tpu.memref_squeeze %dma_start3A_459 : memref<1x72x16xf32, #tpu.memory_space<hbm>> -> memref<72x16xf32, #tpu.memory_space<hbm>>
      %dma_start3A_461 = arith.constant 0 : i32
      %dma_start3A_462 = arith.constant 0 : i32
      %dma_start3A_463 = tpu.memref_slice %arg7[%add3A, %dma_start3A_461, %dma_start3A_462] : memref<32x72x16xf32, #tpu.memory_space<hbm>> -> memref<1x72x16xf32, #tpu.memory_space<hbm>>
      %dma_start3A_464 = tpu.memref_squeeze %dma_start3A_463 : memref<1x72x16xf32, #tpu.memory_space<hbm>> -> memref<72x16xf32, #tpu.memory_space<hbm>>
      tpu.enqueue_dma source(%arg10 : memref<72x16xf32, #tpu.memory_space<vmem>>) target(%dma_start3A_464 : memref<72x16xf32, #tpu.memory_space<hbm>>) target_semaphore(%run_scoped3A : memref<!tpu.dma_semaphore, #tpu.memory_space<semaphore_mem>>)
      %dma_wait3A_465 = arith.constant 0 : i32
      %dma_wait3A_466 = arith.constant 0 : i32
      %dma_wait3A_467 = tpu.memref_slice %arg7[%add3A, %dma_wait3A_465, %dma_wait3A_466] : memref<32x72x16xf32, #tpu.memory_space<hbm>> -> memref<1x72x16xf32, #tpu.memory_space<hbm>>
      %dma_wait3A_468 = tpu.memref_squeeze %dma_wait3A_467 : memref<1x72x16xf32, #tpu.memory_space<hbm>> -> memref<72x16xf32, #tpu.memory_space<hbm>>
      %dma_wait3A_469 = arith.constant 0 : i32
      %dma_wait3A_470 = arith.constant 0 : i32
      %dma_wait3A_471 = tpu.memref_slice %arg7[%add3A, %dma_wait3A_469, %dma_wait3A_470] : memref<32x72x16xf32, #tpu.memory_space<hbm>> -> memref<1x72x16xf32, #tpu.memory_space<hbm>>
      %dma_wait3A_472 = tpu.memref_squeeze %dma_wait3A_471 : memref<1x72x16xf32, #tpu.memory_space<hbm>> -> memref<72x16xf32, #tpu.memory_space<hbm>>
      tpu.wait_dma2 semaphore(%run_scoped3A : memref<!tpu.dma_semaphore, #tpu.memory_space<semaphore_mem>>) src(%arg10 : memref<72x16xf32, #tpu.memory_space<vmem>>) dst(%dma_wait3A_472 : memref<72x16xf32, #tpu.memory_space<hbm>>)
      tpu.yield
    }) : () -> ()
    %dma_wait3A = arith.constant 0 : i32
    %dma_wait3A_332 = arith.constant 0 : i32
    %dma_wait3A_333 = tpu.memref_slice %arg8[%dma_wait3A, %dma_wait3A_332] : memref<320x128xf32, #tpu.memory_space<vmem>> -> memref<16x128xf32, #tpu.memory_space<vmem>>
    %dma_wait3A_334 = arith.constant 0 : i32
    %dma_wait3A_335 = arith.constant 0 : i32
    %dma_wait3A_336 = tpu.memref_slice %arg11[%dma_wait3A_334, %dma_wait3A_335] : memref<72x128xf32, #tpu.memory_space<vmem_shared>> -> memref<72x128xf32, #tpu.memory_space<vmem_shared>>
    tpu.wait_indirect_dma semaphore(%arg12 : memref<!tpu.dma_semaphore, #tpu.memory_space<semaphore_mem>>) src(%dma_wait3A_333 : memref<16x128xf32, #tpu.memory_space<vmem>>) dst(%dma_wait3A_336 : memref<72x128xf32, #tpu.memory_space<vmem_shared>>)
    %dma_wait3A_337 = arith.constant 16 : i32
    %dma_wait3A_338 = arith.constant 0 : i32
    %dma_wait3A_339 = tpu.memref_slice %arg8[%dma_wait3A_337, %dma_wait3A_338] : memref<320x128xf32, #tpu.memory_space<vmem>> -> memref<16x128xf32, #tpu.memory_space<vmem>>
    %dma_wait3A_340 = arith.constant 0 : i32
    %dma_wait3A_341 = arith.constant 0 : i32
    %dma_wait3A_342 = tpu.memref_slice %arg11[%dma_wait3A_340, %dma_wait3A_341] : memref<72x128xf32, #tpu.memory_space<vmem_shared>> -> memref<72x128xf32, #tpu.memory_space<vmem_shared>>
    tpu.wait_indirect_dma semaphore(%arg12 : memref<!tpu.dma_semaphore, #tpu.memory_space<semaphore_mem>>) src(%dma_wait3A_339 : memref<16x128xf32, #tpu.memory_space<vmem>>) dst(%dma_wait3A_342 : memref<72x128xf32, #tpu.memory_space<vmem_shared>>)
    %dma_wait3A_343 = arith.constant 32 : i32
    %dma_wait3A_344 = arith.constant 0 : i32
    %dma_wait3A_345 = tpu.memref_slice %arg8[%dma_wait3A_343, %dma_wait3A_344] : memref<320x128xf32, #tpu.memory_space<vmem>> -> memref<16x128xf32, #tpu.memory_space<vmem>>
    %dma_wait3A_346 = arith.constant 0 : i32
    %dma_wait3A_347 = arith.constant 0 : i32
    %dma_wait3A_348 = tpu.memref_slice %arg11[%dma_wait3A_346, %dma_wait3A_347] : memref<72x128xf32, #tpu.memory_space<vmem_shared>> -> memref<72x128xf32, #tpu.memory_space<vmem_shared>>
    tpu.wait_indirect_dma semaphore(%arg12 : memref<!tpu.dma_semaphore, #tpu.memory_space<semaphore_mem>>) src(%dma_wait3A_345 : memref<16x128xf32, #tpu.memory_space<vmem>>) dst(%dma_wait3A_348 : memref<72x128xf32, #tpu.memory_space<vmem_shared>>)
    %dma_wait3A_349 = arith.constant 48 : i32
    %dma_wait3A_350 = arith.constant 0 : i32
    %dma_wait3A_351 = tpu.memref_slice %arg8[%dma_wait3A_349, %dma_wait3A_350] : memref<320x128xf32, #tpu.memory_space<vmem>> -> memref<16x128xf32, #tpu.memory_space<vmem>>
    %dma_wait3A_352 = arith.constant 0 : i32
    %dma_wait3A_353 = arith.constant 0 : i32
    %dma_wait3A_354 = tpu.memref_slice %arg11[%dma_wait3A_352, %dma_wait3A_353] : memref<72x128xf32, #tpu.memory_space<vmem_shared>> -> memref<72x128xf32, #tpu.memory_space<vmem_shared>>
    tpu.wait_indirect_dma semaphore(%arg12 : memref<!tpu.dma_semaphore, #tpu.memory_space<semaphore_mem>>) src(%dma_wait3A_351 : memref<16x128xf32, #tpu.memory_space<vmem>>) dst(%dma_wait3A_354 : memref<72x128xf32, #tpu.memory_space<vmem_shared>>)
    %dma_wait3A_355 = arith.constant 64 : i32
    %dma_wait3A_356 = arith.constant 0 : i32
    %dma_wait3A_357 = tpu.memref_slice %arg8[%dma_wait3A_355, %dma_wait3A_356] : memref<320x128xf32, #tpu.memory_space<vmem>> -> memref<16x128xf32, #tpu.memory_space<vmem>>
    %dma_wait3A_358 = arith.constant 0 : i32
    %dma_wait3A_359 = arith.constant 0 : i32
    %dma_wait3A_360 = tpu.memref_slice %arg11[%dma_wait3A_358, %dma_wait3A_359] : memref<72x128xf32, #tpu.memory_space<vmem_shared>> -> memref<72x128xf32, #tpu.memory_space<vmem_shared>>
    tpu.wait_indirect_dma semaphore(%arg12 : memref<!tpu.dma_semaphore, #tpu.memory_space<semaphore_mem>>) src(%dma_wait3A_357 : memref<16x128xf32, #tpu.memory_space<vmem>>) dst(%dma_wait3A_360 : memref<72x128xf32, #tpu.memory_space<vmem_shared>>)
    %dma_wait3A_361 = arith.constant 80 : i32
    %dma_wait3A_362 = arith.constant 0 : i32
    %dma_wait3A_363 = tpu.memref_slice %arg8[%dma_wait3A_361, %dma_wait3A_362] : memref<320x128xf32, #tpu.memory_space<vmem>> -> memref<16x128xf32, #tpu.memory_space<vmem>>
    %dma_wait3A_364 = arith.constant 0 : i32
    %dma_wait3A_365 = arith.constant 0 : i32
    %dma_wait3A_366 = tpu.memref_slice %arg11[%dma_wait3A_364, %dma_wait3A_365] : memref<72x128xf32, #tpu.memory_space<vmem_shared>> -> memref<72x128xf32, #tpu.memory_space<vmem_shared>>
    tpu.wait_indirect_dma semaphore(%arg12 : memref<!tpu.dma_semaphore, #tpu.memory_space<semaphore_mem>>) src(%dma_wait3A_363 : memref<16x128xf32, #tpu.memory_space<vmem>>) dst(%dma_wait3A_366 : memref<72x128xf32, #tpu.memory_space<vmem_shared>>)
    %dma_wait3A_367 = arith.constant 96 : i32
    %dma_wait3A_368 = arith.constant 0 : i32
    %dma_wait3A_369 = tpu.memref_slice %arg8[%dma_wait3A_367, %dma_wait3A_368] : memref<320x128xf32, #tpu.memory_space<vmem>> -> memref<16x128xf32, #tpu.memory_space<vmem>>
    %dma_wait3A_370 = arith.constant 0 : i32
    %dma_wait3A_371 = arith.constant 0 : i32
    %dma_wait3A_372 = tpu.memref_slice %arg11[%dma_wait3A_370, %dma_wait3A_371] : memref<72x128xf32, #tpu.memory_space<vmem_shared>> -> memref<72x128xf32, #tpu.memory_space<vmem_shared>>
    tpu.wait_indirect_dma semaphore(%arg12 : memref<!tpu.dma_semaphore, #tpu.memory_space<semaphore_mem>>) src(%dma_wait3A_369 : memref<16x128xf32, #tpu.memory_space<vmem>>) dst(%dma_wait3A_372 : memref<72x128xf32, #tpu.memory_space<vmem_shared>>)
    %dma_wait3A_373 = arith.constant 112 : i32
    %dma_wait3A_374 = arith.constant 0 : i32
    %dma_wait3A_375 = tpu.memref_slice %arg8[%dma_wait3A_373, %dma_wait3A_374] : memref<320x128xf32, #tpu.memory_space<vmem>> -> memref<16x128xf32, #tpu.memory_space<vmem>>
    %dma_wait3A_376 = arith.constant 0 : i32
    %dma_wait3A_377 = arith.constant 0 : i32
    %dma_wait3A_378 = tpu.memref_slice %arg11[%dma_wait3A_376, %dma_wait3A_377] : memref<72x128xf32, #tpu.memory_space<vmem_shared>> -> memref<72x128xf32, #tpu.memory_space<vmem_shared>>
    tpu.wait_indirect_dma semaphore(%arg12 : memref<!tpu.dma_semaphore, #tpu.memory_space<semaphore_mem>>) src(%dma_wait3A_375 : memref<16x128xf32, #tpu.memory_space<vmem>>) dst(%dma_wait3A_378 : memref<72x128xf32, #tpu.memory_space<vmem_shared>>)
    %dma_wait3A_379 = arith.constant 128 : i32
    %dma_wait3A_380 = arith.constant 0 : i32
    %dma_wait3A_381 = tpu.memref_slice %arg8[%dma_wait3A_379, %dma_wait3A_380] : memref<320x128xf32, #tpu.memory_space<vmem>> -> memref<16x128xf32, #tpu.memory_space<vmem>>
    %dma_wait3A_382 = arith.constant 0 : i32
    %dma_wait3A_383 = arith.constant 0 : i32
    %dma_wait3A_384 = tpu.memref_slice %arg11[%dma_wait3A_382, %dma_wait3A_383] : memref<72x128xf32, #tpu.memory_space<vmem_shared>> -> memref<72x128xf32, #tpu.memory_space<vmem_shared>>
    tpu.wait_indirect_dma semaphore(%arg12 : memref<!tpu.dma_semaphore, #tpu.memory_space<semaphore_mem>>) src(%dma_wait3A_381 : memref<16x128xf32, #tpu.memory_space<vmem>>) dst(%dma_wait3A_384 : memref<72x128xf32, #tpu.memory_space<vmem_shared>>)
    %dma_wait3A_385 = arith.constant 144 : i32
    %dma_wait3A_386 = arith.constant 0 : i32
    %dma_wait3A_387 = tpu.memref_slice %arg8[%dma_wait3A_385, %dma_wait3A_386] : memref<320x128xf32, #tpu.memory_space<vmem>> -> memref<16x128xf32, #tpu.memory_space<vmem>>
    %dma_wait3A_388 = arith.constant 0 : i32
    %dma_wait3A_389 = arith.constant 0 : i32
    %dma_wait3A_390 = tpu.memref_slice %arg11[%dma_wait3A_388, %dma_wait3A_389] : memref<72x128xf32, #tpu.memory_space<vmem_shared>> -> memref<72x128xf32, #tpu.memory_space<vmem_shared>>
    tpu.wait_indirect_dma semaphore(%arg12 : memref<!tpu.dma_semaphore, #tpu.memory_space<semaphore_mem>>) src(%dma_wait3A_387 : memref<16x128xf32, #tpu.memory_space<vmem>>) dst(%dma_wait3A_390 : memref<72x128xf32, #tpu.memory_space<vmem_shared>>)
    %dma_wait3A_391 = arith.constant 160 : i32
    %dma_wait3A_392 = arith.constant 0 : i32
    %dma_wait3A_393 = tpu.memref_slice %arg8[%dma_wait3A_391, %dma_wait3A_392] : memref<320x128xf32, #tpu.memory_space<vmem>> -> memref<16x128xf32, #tpu.memory_space<vmem>>
    %dma_wait3A_394 = arith.constant 0 : i32
    %dma_wait3A_395 = arith.constant 0 : i32
    %dma_wait3A_396 = tpu.memref_slice %arg11[%dma_wait3A_394, %dma_wait3A_395] : memref<72x128xf32, #tpu.memory_space<vmem_shared>> -> memref<72x128xf32, #tpu.memory_space<vmem_shared>>
    tpu.wait_indirect_dma semaphore(%arg12 : memref<!tpu.dma_semaphore, #tpu.memory_space<semaphore_mem>>) src(%dma_wait3A_393 : memref<16x128xf32, #tpu.memory_space<vmem>>) dst(%dma_wait3A_396 : memref<72x128xf32, #tpu.memory_space<vmem_shared>>)
    %dma_wait3A_397 = arith.constant 176 : i32
    %dma_wait3A_398 = arith.constant 0 : i32
    %dma_wait3A_399 = tpu.memref_slice %arg8[%dma_wait3A_397, %dma_wait3A_398] : memref<320x128xf32, #tpu.memory_space<vmem>> -> memref<16x128xf32, #tpu.memory_space<vmem>>
    %dma_wait3A_400 = arith.constant 0 : i32
    %dma_wait3A_401 = arith.constant 0 : i32
    %dma_wait3A_402 = tpu.memref_slice %arg11[%dma_wait3A_400, %dma_wait3A_401] : memref<72x128xf32, #tpu.memory_space<vmem_shared>> -> memref<72x128xf32, #tpu.memory_space<vmem_shared>>
    tpu.wait_indirect_dma semaphore(%arg12 : memref<!tpu.dma_semaphore, #tpu.memory_space<semaphore_mem>>) src(%dma_wait3A_399 : memref<16x128xf32, #tpu.memory_space<vmem>>) dst(%dma_wait3A_402 : memref<72x128xf32, #tpu.memory_space<vmem_shared>>)
    %dma_wait3A_403 = arith.constant 192 : i32
    %dma_wait3A_404 = arith.constant 0 : i32
    %dma_wait3A_405 = tpu.memref_slice %arg8[%dma_wait3A_403, %dma_wait3A_404] : memref<320x128xf32, #tpu.memory_space<vmem>> -> memref<16x128xf32, #tpu.memory_space<vmem>>
    %dma_wait3A_406 = arith.constant 0 : i32
    %dma_wait3A_407 = arith.constant 0 : i32
    %dma_wait3A_408 = tpu.memref_slice %arg11[%dma_wait3A_406, %dma_wait3A_407] : memref<72x128xf32, #tpu.memory_space<vmem_shared>> -> memref<72x128xf32, #tpu.memory_space<vmem_shared>>
    tpu.wait_indirect_dma semaphore(%arg12 : memref<!tpu.dma_semaphore, #tpu.memory_space<semaphore_mem>>) src(%dma_wait3A_405 : memref<16x128xf32, #tpu.memory_space<vmem>>) dst(%dma_wait3A_408 : memref<72x128xf32, #tpu.memory_space<vmem_shared>>)
    %dma_wait3A_409 = arith.constant 208 : i32
    %dma_wait3A_410 = arith.constant 0 : i32
    %dma_wait3A_411 = tpu.memref_slice %arg8[%dma_wait3A_409, %dma_wait3A_410] : memref<320x128xf32, #tpu.memory_space<vmem>> -> memref<16x128xf32, #tpu.memory_space<vmem>>
    %dma_wait3A_412 = arith.constant 0 : i32
    %dma_wait3A_413 = arith.constant 0 : i32
    %dma_wait3A_414 = tpu.memref_slice %arg11[%dma_wait3A_412, %dma_wait3A_413] : memref<72x128xf32, #tpu.memory_space<vmem_shared>> -> memref<72x128xf32, #tpu.memory_space<vmem_shared>>
    tpu.wait_indirect_dma semaphore(%arg12 : memref<!tpu.dma_semaphore, #tpu.memory_space<semaphore_mem>>) src(%dma_wait3A_411 : memref<16x128xf32, #tpu.memory_space<vmem>>) dst(%dma_wait3A_414 : memref<72x128xf32, #tpu.memory_space<vmem_shared>>)
    %dma_wait3A_415 = arith.constant 224 : i32
    %dma_wait3A_416 = arith.constant 0 : i32
    %dma_wait3A_417 = tpu.memref_slice %arg8[%dma_wait3A_415, %dma_wait3A_416] : memref<320x128xf32, #tpu.memory_space<vmem>> -> memref<16x128xf32, #tpu.memory_space<vmem>>
    %dma_wait3A_418 = arith.constant 0 : i32
    %dma_wait3A_419 = arith.constant 0 : i32
    %dma_wait3A_420 = tpu.memref_slice %arg11[%dma_wait3A_418, %dma_wait3A_419] : memref<72x128xf32, #tpu.memory_space<vmem_shared>> -> memref<72x128xf32, #tpu.memory_space<vmem_shared>>
    tpu.wait_indirect_dma semaphore(%arg12 : memref<!tpu.dma_semaphore, #tpu.memory_space<semaphore_mem>>) src(%dma_wait3A_417 : memref<16x128xf32, #tpu.memory_space<vmem>>) dst(%dma_wait3A_420 : memref<72x128xf32, #tpu.memory_space<vmem_shared>>)
    %dma_wait3A_421 = arith.constant 240 : i32
    %dma_wait3A_422 = arith.constant 0 : i32
    %dma_wait3A_423 = tpu.memref_slice %arg8[%dma_wait3A_421, %dma_wait3A_422] : memref<320x128xf32, #tpu.memory_space<vmem>> -> memref<16x128xf32, #tpu.memory_space<vmem>>
    %dma_wait3A_424 = arith.constant 0 : i32
    %dma_wait3A_425 = arith.constant 0 : i32
    %dma_wait3A_426 = tpu.memref_slice %arg11[%dma_wait3A_424, %dma_wait3A_425] : memref<72x128xf32, #tpu.memory_space<vmem_shared>> -> memref<72x128xf32, #tpu.memory_space<vmem_shared>>
    tpu.wait_indirect_dma semaphore(%arg12 : memref<!tpu.dma_semaphore, #tpu.memory_space<semaphore_mem>>) src(%dma_wait3A_423 : memref<16x128xf32, #tpu.memory_space<vmem>>) dst(%dma_wait3A_426 : memref<72x128xf32, #tpu.memory_space<vmem_shared>>)
    %dma_wait3A_427 = arith.constant 256 : i32
    %dma_wait3A_428 = arith.constant 0 : i32
    %dma_wait3A_429 = tpu.memref_slice %arg8[%dma_wait3A_427, %dma_wait3A_428] : memref<320x128xf32, #tpu.memory_space<vmem>> -> memref<16x128xf32, #tpu.memory_space<vmem>>
    %dma_wait3A_430 = arith.constant 0 : i32
    %dma_wait3A_431 = arith.constant 0 : i32
    %dma_wait3A_432 = tpu.memref_slice %arg11[%dma_wait3A_430, %dma_wait3A_431] : memref<72x128xf32, #tpu.memory_space<vmem_shared>> -> memref<72x128xf32, #tpu.memory_space<vmem_shared>>
    tpu.wait_indirect_dma semaphore(%arg12 : memref<!tpu.dma_semaphore, #tpu.memory_space<semaphore_mem>>) src(%dma_wait3A_429 : memref<16x128xf32, #tpu.memory_space<vmem>>) dst(%dma_wait3A_432 : memref<72x128xf32, #tpu.memory_space<vmem_shared>>)
    %dma_wait3A_433 = arith.constant 272 : i32
    %dma_wait3A_434 = arith.constant 0 : i32
    %dma_wait3A_435 = tpu.memref_slice %arg8[%dma_wait3A_433, %dma_wait3A_434] : memref<320x128xf32, #tpu.memory_space<vmem>> -> memref<16x128xf32, #tpu.memory_space<vmem>>
    %dma_wait3A_436 = arith.constant 0 : i32
    %dma_wait3A_437 = arith.constant 0 : i32
    %dma_wait3A_438 = tpu.memref_slice %arg11[%dma_wait3A_436, %dma_wait3A_437] : memref<72x128xf32, #tpu.memory_space<vmem_shared>> -> memref<72x128xf32, #tpu.memory_space<vmem_shared>>
    tpu.wait_indirect_dma semaphore(%arg12 : memref<!tpu.dma_semaphore, #tpu.memory_space<semaphore_mem>>) src(%dma_wait3A_435 : memref<16x128xf32, #tpu.memory_space<vmem>>) dst(%dma_wait3A_438 : memref<72x128xf32, #tpu.memory_space<vmem_shared>>)
    %dma_wait3A_439 = arith.constant 288 : i32
    %dma_wait3A_440 = arith.constant 0 : i32
    %dma_wait3A_441 = tpu.memref_slice %arg8[%dma_wait3A_439, %dma_wait3A_440] : memref<320x128xf32, #tpu.memory_space<vmem>> -> memref<16x128xf32, #tpu.memory_space<vmem>>
    %dma_wait3A_442 = arith.constant 0 : i32
    %dma_wait3A_443 = arith.constant 0 : i32
    %dma_wait3A_444 = tpu.memref_slice %arg11[%dma_wait3A_442, %dma_wait3A_443] : memref<72x128xf32, #tpu.memory_space<vmem_shared>> -> memref<72x128xf32, #tpu.memory_space<vmem_shared>>
    tpu.wait_indirect_dma semaphore(%arg12 : memref<!tpu.dma_semaphore, #tpu.memory_space<semaphore_mem>>) src(%dma_wait3A_441 : memref<16x128xf32, #tpu.memory_space<vmem>>) dst(%dma_wait3A_444 : memref<72x128xf32, #tpu.memory_space<vmem_shared>>)
    %dma_wait3A_445 = arith.constant 304 : i32
    %dma_wait3A_446 = arith.constant 0 : i32
    %dma_wait3A_447 = tpu.memref_slice %arg8[%dma_wait3A_445, %dma_wait3A_446] : memref<320x128xf32, #tpu.memory_space<vmem>> -> memref<16x128xf32, #tpu.memory_space<vmem>>
    %dma_wait3A_448 = arith.constant 0 : i32
    %dma_wait3A_449 = arith.constant 0 : i32
    %dma_wait3A_450 = tpu.memref_slice %arg11[%dma_wait3A_448, %dma_wait3A_449] : memref<72x128xf32, #tpu.memory_space<vmem_shared>> -> memref<72x128xf32, #tpu.memory_space<vmem_shared>>
    tpu.wait_indirect_dma semaphore(%arg12 : memref<!tpu.dma_semaphore, #tpu.memory_space<semaphore_mem>>) src(%dma_wait3A_447 : memref<16x128xf32, #tpu.memory_space<vmem>>) dst(%dma_wait3A_450 : memref<72x128xf32, #tpu.memory_space<vmem_shared>>)
    %barrier3A_451 = arith.constant 0 : index
    tpu.barrier barrier_id(%barrier3A_451)
    %eq3A_452 = arith.constant 0 : i32
    %eq3A_453 = arith.cmpi eq, %arg1, %eq3A_452 : i32
    %convert_element_type3A_454 = arith.extui %eq3A_453 : i1 to i32
    %cond3A_455 = arith.constant 0 : i32
    %cond3A_456 = arith.cmpi ne, %convert_element_type3A_454, %cond3A_455 : i32
    scf.if %cond3A_456 {
      "tpu.region"() ({
        %run_scoped3A = tpu.sem_alloc : memref<!tpu.dma_semaphore, #tpu.memory_space<semaphore_mem>>
        %dma_start3A_457 = arith.constant 0 : i32
        %dma_start3A_458 = arith.constant 0 : i32
        %dma_start3A_459 = tpu.memref_slice %arg6[%arg0, %dma_start3A_457, %dma_start3A_458] : memref<2x72x128xf32, #tpu.memory_space<hbm>> -> memref<1x72x128xf32, #tpu.memory_space<hbm>>
        %dma_start3A_460 = tpu.memref_squeeze %dma_start3A_459 : memref<1x72x128xf32, #tpu.memory_space<hbm>> -> memref<72x128xf32, #tpu.memory_space<hbm>>
        tpu.enqueue_dma source(%arg11 : memref<72x128xf32, #tpu.memory_space<vmem_shared>>) target(%dma_start3A_460 : memref<72x128xf32, #tpu.memory_space<hbm>>) target_semaphore(%run_scoped3A : memref<!tpu.dma_semaphore, #tpu.memory_space<semaphore_mem>>)
        %dma_wait3A_461 = arith.constant 0 : i32
        %dma_wait3A_462 = arith.constant 0 : i32
        %dma_wait3A_463 = tpu.memref_slice %arg6[%arg0, %dma_wait3A_461, %dma_wait3A_462] : memref<2x72x128xf32, #tpu.memory_space<hbm>> -> memref<1x72x128xf32, #tpu.memory_space<hbm>>
        %dma_wait3A_464 = tpu.memref_squeeze %dma_wait3A_463 : memref<1x72x128xf32, #tpu.memory_space<hbm>> -> memref<72x128xf32, #tpu.memory_space<hbm>>
        tpu.wait_dma2 semaphore(%run_scoped3A : memref<!tpu.dma_semaphore, #tpu.memory_space<semaphore_mem>>) src(%arg11 : memref<72x128xf32, #tpu.memory_space<vmem_shared>>) dst(%dma_wait3A_464 : memref<72x128xf32, #tpu.memory_space<hbm>>)
        tpu.yield
      }) : () -> ()
    } else {
    }
    return
  }
}

module attributes {stable_mosaic.version = 14 : i64} {
  func.func @_tc_body(%arg0: memref<2x72x128xf32, #tpu.memory_space<vmem>>, %arg1: memref<32x72x16xf32, #tpu.memory_space<vmem>>, %arg2: memref<64x128xf32, #tpu.memory_space<vmem>>, %arg3: memref<256x128xf32, #tpu.memory_space<vmem>>, %arg4: memref<1x128xf32, #tpu.memory_space<vmem>>, %arg5: memref<128x128xf32, #tpu.memory_space<vmem>>, %arg6: memref<1x128xf32, #tpu.memory_space<vmem>>, %arg7: memref<64x128xf32, #tpu.memory_space<vmem>>) attributes {dimension_semantics = [], scalar_prefetch = 0 : i64, scratch_operands = 0 : i64, tpu.core_type = #tpu.core_type<tc>} {
    %get3A = arith.constant 0 : index
    %get3A_0 = arith.constant 0 : index
    %get3A_1 = arith.constant 0 : index
    %get3A_2 = vector.load %arg0[%get3A, %get3A_0, %get3A_1] : memref<2x72x128xf32, #tpu.memory_space<vmem>>, vector<1x64x128xf32>
    %get3A_3 = vector.shape_cast %get3A_2 : vector<1x64x128xf32> to vector<64x128xf32>
    %get3A_4 = arith.constant 1 : index
    %get3A_5 = arith.constant 0 : index
    %get3A_6 = arith.constant 0 : index
    %get3A_7 = vector.load %arg0[%get3A_4, %get3A_5, %get3A_6] : memref<2x72x128xf32, #tpu.memory_space<vmem>>, vector<1x64x128xf32>
    %get3A_8 = vector.shape_cast %get3A_7 : vector<1x64x128xf32> to vector<64x128xf32>
    %add3A = arith.addf %get3A_3, %get3A_8 : vector<64x128xf32>
    %get3A_9 = arith.constant 0 : index
    %get3A_10 = arith.constant 0 : index
    %get3A_11 = arith.constant 0 : index
    %get3A_12 = vector.load %arg1[%get3A_9, %get3A_10, %get3A_11] : memref<32x72x16xf32, #tpu.memory_space<vmem>>, vector<32x64x16xf32>
    %reduce_sum3A = arith.constant dense<0.000000e+00> : vector<64x16xf32>
    %reduce_sum3A_13 = vector.multi_reduction <add>, %get3A_12, %reduce_sum3A [0] : vector<32x64x16xf32> to vector<64x16xf32>
    %reduce_sum3A_14 = arith.constant dense<0.000000e+00> : vector<64xf32>
    %reduce_sum3A_15 = vector.multi_reduction <add>, %reduce_sum3A_13, %reduce_sum3A_14 [1] : vector<64x16xf32> to vector<64xf32>
    %broadcast_in_dim3A = vector.shape_cast %reduce_sum3A_15 : vector<64xf32> to vector<64x1xf32>
    %max3A = arith.constant 1.000000e+00 : f32
    %max3A_16 = vector.broadcast %max3A : f32 to vector<64x1xf32>
    %max3A_17 = arith.maximumf %broadcast_in_dim3A, %max3A_16 : vector<64x1xf32>
    %div3A = vector.broadcast %max3A_17 : vector<64x1xf32> to vector<64x128xf32>
    %div3A_18 = arith.divf %add3A, %div3A : vector<64x128xf32>
    %get3A_19 = arith.constant 0 : index
    %get3A_20 = arith.constant 0 : index
    %get3A_21 = vector.load %arg3[%get3A_19, %get3A_20] : memref<256x128xf32, #tpu.memory_space<vmem>>, vector<256x128xf32>
    %get3A_22 = arith.constant 0 : index
    %get3A_23 = arith.constant 0 : index
    %get3A_24 = vector.load %arg2[%get3A_22, %get3A_23] : memref<64x128xf32, #tpu.memory_space<vmem>>, vector<64x128xf32>
    %slice3A = vector.extract_strided_slice %get3A_21 {offsets = [0, 0], sizes = [128, 128], strides = [1, 1]} : vector<256x128xf32> to vector<128x128xf32>
    %dot_general3A = arith.constant dense<0.000000e+00> : vector<64x128xf32>
    %dot_general3A_25 = tpu.matmul %get3A_24, %slice3A, %dot_general3A {dimension_numbers = #tpu.dot_dimension_numbers<[1], [0], [0], [1], [0, 0, 1, 1], [], []>, precision = #tpu.contract_precision<fp32>, transpose_lhs_hint = false} : vector<64x128xf32>, vector<128x128xf32>, vector<64x128xf32> -> vector<64x128xf32>
    %slice3A_26 = vector.extract_strided_slice %get3A_21 {offsets = [128, 0], sizes = [128, 128], strides = [1, 1]} : vector<256x128xf32> to vector<128x128xf32>
    %dot_general3A_27 = arith.constant dense<0.000000e+00> : vector<64x128xf32>
    %dot_general3A_28 = tpu.matmul %div3A_18, %slice3A_26, %dot_general3A_27 {dimension_numbers = #tpu.dot_dimension_numbers<[1], [0], [0], [1], [0, 0, 1, 1], [], []>, precision = #tpu.contract_precision<fp32>, transpose_lhs_hint = false} : vector<64x128xf32>, vector<128x128xf32>, vector<64x128xf32> -> vector<64x128xf32>
    %add3A_29 = arith.addf %dot_general3A_25, %dot_general3A_28 : vector<64x128xf32>
    %get3A_30 = arith.constant 0 : index
    %get3A_31 = arith.constant 0 : index
    %get3A_32 = vector.load %arg4[%get3A_30, %get3A_31] : memref<1x128xf32, #tpu.memory_space<vmem>>, vector<1x128xf32>
    %add3A_33 = vector.broadcast %get3A_32 : vector<1x128xf32> to vector<64x128xf32>
    %add3A_34 = arith.addf %add3A_29, %add3A_33 : vector<64x128xf32>
    %max3A_35 = arith.constant 0.000000e+00 : f32
    %max3A_36 = vector.broadcast %max3A_35 : f32 to vector<64x128xf32>
    %max3A_37 = arith.maximumf %add3A_34, %max3A_36 : vector<64x128xf32>
    %get3A_38 = arith.constant 0 : index
    %get3A_39 = arith.constant 0 : index
    %get3A_40 = vector.load %arg5[%get3A_38, %get3A_39] : memref<128x128xf32, #tpu.memory_space<vmem>>, vector<128x128xf32>
    %dot_general3A_41 = arith.constant dense<0.000000e+00> : vector<64x128xf32>
    %dot_general3A_42 = tpu.matmul %max3A_37, %get3A_40, %dot_general3A_41 {dimension_numbers = #tpu.dot_dimension_numbers<[1], [0], [0], [1], [0, 0, 1, 1], [], []>, precision = #tpu.contract_precision<fp32>, transpose_lhs_hint = false} : vector<64x128xf32>, vector<128x128xf32>, vector<64x128xf32> -> vector<64x128xf32>
    %get3A_43 = arith.constant 0 : index
    %get3A_44 = arith.constant 0 : index
    %get3A_45 = vector.load %arg6[%get3A_43, %get3A_44] : memref<1x128xf32, #tpu.memory_space<vmem>>, vector<1x128xf32>
    %add3A_46 = vector.broadcast %get3A_45 : vector<1x128xf32> to vector<64x128xf32>
    %add3A_47 = arith.addf %dot_general3A_42, %add3A_46 : vector<64x128xf32>
    %swap3A = arith.constant 0 : index
    %swap3A_48 = arith.constant 0 : index
    %swap3A_49 = vector.load %arg7[%swap3A, %swap3A_48] : memref<64x128xf32, #tpu.memory_space<vmem>>, vector<64x128xf32>
    tpu.vector_store %arg7[%swap3A, %swap3A_48], %add3A_47 {strides = array<i32>} : memref<64x128xf32, #tpu.memory_space<vmem>>, vector<64x128xf32>,
    return
  }
}

</mosaic_0001>

<sc_bundles>
// kernel: kernel.4.cloned.1.call-start
scs
__scs_entry_jumppad:
0x0: {  	(pc) =	sbr.rel $0x88, $3  }
0x1: {  	(tag) =	ssettag $0x0;
	lr =	simm.s32 $0x1  }
0x2: {  	[smem:$0x3F9A] =	sst lr;
	_ =	strace $0xD0000000  }
0x3: {  	_ = 	snop  }
0x4: {  	_ = 	snop  }
0x5: {  	_ = 	snop  }
0x6: {  	_ = 	snop  }
0x7: {  	_ = 	snop  }
__scs_overlays_trampoline_lowered:
0x8: {  	[smem:$0x3FA9] =	sst s0  }
0x9: {  	[smem:$0x3FAA] =	sst s1  }
0xa: {  	[smem:$0x3FAB] =	sst s2  }
0xb: {  	[smem:$0x3FAC] =	sst s3  }
0xc: {  	[smem:$0x3FAD] =	sst s4  }
0xd: {  	[smem:$0x3FAE] =	sst s5  }
0xe: {  	[smem:$0x3FAF] =	sst s6  }
0xf: {  	[smem:$0x3FB0] =	sst s7  }
0x10: {  	[smem:$0x3FB1] =	sst s8  }
0x11: {  	[smem:$0x3FB2] =	sst s9;
	s0 =	simm.s32 @!p0 $0x0  }
0x12: {  	s1 =	sld [smem:$0x3F98];
	s0 =	simm.s32 @p0 $0x1  }
0x13: {  	[smem:$0x3FB3] =	sst s0;
	s0 =	simm.s32 @!p1 $0x0  }
0x14: {  	s2 =	sld [smem:$0x3F97];
	s0 =	simm.s32 @p1 $0x1  }
0x15: {  	[smem:$0x3FB4] =	sst s0;
	s0 =	simm.s32 @!p2 $0x0  }
0x16: {  	s3 =	sld [smem:$0x3FDB];
	s0 =	simm.s32 @p2 $0x1  }
0x17: {  	s4 =	simm.s32 $0x1BF5;
	[smem:$0x3FB6] =	sst s0  }
0x18: {  	s0 =	sld [smem:$0x3F99];
	_ =	swait.ge [sflag:s4], $0x0  }
0x19: {  	s7 =	sld [smem:$0x3F9A]  }
0x1a: {  	s8 =	sadd.s32 $0xFFFFE003, lr  }
0x1b: {  	s9 =	sadd.s32 $0xFFFFFEF7, lr;
	s5 =	simm.s32 $0xFFFFFFFF;
	p2 =	slt.u32 s8, $0xFFFFF086  }
0x1c: {  	p1 =	slt.u32 s9, $0xF7A;
	s5 =	simm.s32 @!p2 $0x0  }
0x1d: {  	s5 =	simm.s32 @p1 $0x1;
	p0 =	seq.s32 s7, s2  }
0x1e: {  	s7 =	smul.u32 @!p0 $0xF7A, s2;
	p2 =	seq.s32 @!p0 s5, $0x0  }
0x1f: {  	s9 =	smul.u32 $0xF7A, s1;
	s8 =	simm.s32 @!p0 $0x1BF5;
	p2 =	por !p2, p0  }
0x20: {  	[sflag:s8] =	ssyncset.s32 @!p0 $0xFFFFF086;
	s6 =	sadd.s32 @!p0 s3, s7;
	s7 =	simm.s32 @!p0 $0x108  }
0x21: {  	s3 =	sadd.s32 s3, s9;
	s6 =	sadd.s32 @!p0 $0x88, s6;
	s7 =	simm.s32 @p2 $0x1082  }
0x22: {  	[simem:s7], [sflag:s8] =	dma.local @!p0 [hbm:s6], $0xF7A  }
0x23: {  	s9 =	sor.u32 $0xD0000000, s2;
	s6 =	simm.s32 $0x108;
	_ =	swait.ge @!p0 [sflag:s8], $0x0  }
0x24: {  	s3 =	sadd.s32 $0x88, s3;
	s6 =	simm.s32 @!p1 $0x1082;
	[sflag:s4] =	ssyncset.s32 $0xFFFFF086  }
0x25: {  	[simem:s6], [sflag:s4] =	dma.local [hbm:s3], $0xF7A  }
0x26: {  	[smem:$0x3F9A] =	sst s1;
	(tag) =	ssettag s2;
	_ =	strace s9  }
0x27: {  	s1 =	sld [smem:$0x3FAA]  }
0x28: {  	s2 =	sld [smem:$0x3FAB]  }
0x29: {  	s4 =	sld [smem:$0x3FAD]  }
0x2a: {  	p0 =	seq.s32 s5, $0x0;
	s5 =	sld [smem:$0x3FAE]  }
0x2b: {  	s6 =	sld [smem:$0x3FAF]  }
0x2c: {  	s7 =	sld [smem:$0x3FB0]  }
0x2d: {  	s3 =	simm.s32 $0x108;
	s8 =	sld [smem:$0x3FB1]  }
0x2e: {  	s3 =	simm.s32 @!p0 $0x1082;
	s9 =	sld [smem:$0x3FB2]  }
0x2f: {  	lr =	sadd.s32 s0, s3;
	s0 =	sld [smem:$0x3FA9]  }
0x30: {  	s3 =	sld [smem:$0x3FAC]  }
0x31: {  	[smem:$0x3FB5] =	sst s10  }
0x32: {  	s10 =	sld [smem:$0x3FB3];
	_ =	sdelay $0x3  }
0x33: {  	p0 =	seq.s32 s10, $0x1;
	s10 =	sld [smem:$0x3FB5];
	_ =	sdelay $0x3  }
0x34: {  	[smem:$0x3FB5] =	sst s10  }
0x35: {  	s10 =	sld [smem:$0x3FB4];
	_ =	sdelay $0x3  }
0x36: {  	p1 =	seq.s32 s10, $0x1;
	s10 =	sld [smem:$0x3FB5];
	_ =	sdelay $0x3  }
0x37: {  	[smem:$0x3FB5] =	sst s10  }
0x38: {  	s10 =	sld [smem:$0x3FB6]  }
0x39: {  	_ = 	snop;
	(pc) =	sbr.ind lr, $3  }
0x3a: {  	_ = 	snop  }
0x3b: {  	_ = 	snop  }
0x3c: {  	p2 =	seq.s32 s10, $0x1;
	s10 =	sld [smem:$0x3FB5]  }
0x3d: {  	_ =	shalt  }
0x3e: {  	_ =	shalt  }
0x3f: {  	_ =	shalt  }
0x40: {  	_ =	shalt  }
0x41: {  	_ =	shalt  }
0x42: {  	_ =	shalt  }
0x43: {  	_ =	shalt  }
0x44: {  	_ =	shalt  }
0x45: {  	_ =	shalt  }
0x46: {  	_ =	shalt  }
0x47: {  	_ =	shalt  }
0x48: {  	_ =	shalt  }
0x49: {  	_ =	shalt  }
0x4a: {  	_ =	shalt  }
0x4b: {  	_ =	shalt  }
0x4c: {  	_ =	shalt  }
0x4d: {  	_ =	shalt  }
0x4e: {  	_ =	shalt  }
0x4f: {  	_ =	shalt  }
0x50: {  	_ =	shalt  }
0x51: {  	_ =	shalt  }
0x52: {  	_ =	shalt  }
0x53: {  	_ =	shalt  }
0x54: {  	_ =	shalt  }
0x55: {  	_ =	shalt  }
0x56: {  	_ =	shalt  }
0x57: {  	_ =	shalt  }
0x58: {  	_ =	shalt  }
0x59: {  	_ =	shalt  }
0x5a: {  	_ =	shalt  }
0x5b: {  	_ =	shalt  }
0x5c: {  	_ =	shalt  }
0x5d: {  	_ =	shalt  }
0x5e: {  	_ =	shalt  }
0x5f: {  	_ =	shalt  }
0x60: {  	_ =	shalt  }
0x61: {  	_ =	shalt  }
0x62: {  	_ =	shalt  }
0x63: {  	_ =	shalt  }
0x64: {  	_ =	shalt  }
0x65: {  	_ =	shalt  }
0x66: {  	_ =	shalt  }
0x67: {  	_ =	shalt  }
0x68: {  	_ =	shalt  }
0x69: {  	_ =	shalt  }
0x6a: {  	_ =	shalt  }
0x6b: {  	_ =	shalt  }
0x6c: {  	_ =	shalt  }
0x6d: {  	_ =	shalt  }
0x6e: {  	_ =	shalt  }
0x6f: {  	_ =	shalt  }
0x70: {  	_ =	shalt  }
0x71: {  	_ =	shalt  }
0x72: {  	_ =	shalt  }
0x73: {  	_ =	shalt  }
0x74: {  	_ =	shalt  }
0x75: {  	_ =	shalt  }
0x76: {  	_ =	shalt  }
0x77: {  	_ =	shalt  }
0x78: {  	_ =	shalt  }
0x79: {  	_ =	shalt  }
0x7a: {  	_ =	shalt  }
0x7b: {  	_ =	shalt  }
0x7c: {  	_ =	shalt  }
0x7d: {  	_ =	shalt  }
0x7e: {  	_ =	shalt  }
0x7f: {  	_ =	shalt  }
0x80: {  	_ =	shalt  }
0x81: {  	_ =	shalt  }
0x82: {  	_ =	shalt  }
0x83: {  	_ =	shalt  }
0x84: {  	_ =	shalt  }
0x85: {  	_ =	shalt  }
0x86: {  	_ =	shalt  }
0x87: {  	_ =	shalt  }
.Lfunc_end0:
.L_simem_size_0:
called_computation_lowered:
.L_overlay_start_0:
0x88: {  	s2 =	sld [smem:$0x3FD9]  }
0x89: {  	s3 =	sld [smem:$0x3FFE];
	_ =	sdelay $0x1  }
0x8a: {  	s1 =	srdreg.scid  }
0x8b: {  	s0 =	sand.u32 $0x1, s1  }
0x8c: {  	s17 =	sshll.u32 s0, $0xA;
	s2 =	sadd.s32 s3, s2  }
0x8d: {  	s2 =	sadd.s32 s2, s17  }
0x8e: {  	[smem:$0x3FC1] =	sst s2  }
0x8f: {  	_ = 	snop  }
0x90: {  	s2 =	sld [smem:$0x3FC9]  }
0x91: {  	s18 =	sld [smem:$0x3FC7];
	(tm) =	ssettm $0x1  }
0x92: {  	s4 =	sld [smem:$0x3FFB];
	_ =	sdelay $0x3  }
0x93: {  	_ =	strace s4  }
0x94: {  	s4 =	sld [smem:$0x3FFC];
	_ =	sdelay $0x3  }
0x95: {  	_ =	strace s4  }
0x96: {  	s4 =	sld [smem:$0x3FFD];
	_ =	sdelay $0x3  }
0x97: {  	_ =	strace s4  }
0x98: {  	_ =	strace $0x8FFFFFFF  }
0x99: {  	s19 =	sld [smem:$0x3FDB];
	_ =	sdelay $0x1  }
0x9a: {  	s5 =	simm.s32 $_scs_section_size  }
0x9b: {  	s6 =	simm.s32 $_size__tile_overlayer_lowered;
	s7 =	simm.s32 $_tile_overlayer_lowered  }
0x9c: {  	s22 =	simm.s32 $0x1BFF;
	s21 =	sshll.u32 s7, $0x1;
	s4 =	sadd.s32 s5, s19  }
0x9d: {  	s8 =	simm.s32 $0x0;
	s20 =	sshll.u32 s6, $0x1;
	s6 =	sadd.s32 s21, s4  }
0x9e: {  	[timem:s8], [sflag:s22] =	dma.local [hbm:s6], s20  }
0x9f: {  	_ =	swait.ge [sflag:s22], s20  }
0xa0: {  	s5 =	ssub.s32 $0x0, s20;
	[sflag:s22] =	ssyncset.done $0x0  }
0xa1: {  	[sflag:s22] =	ssyncadd.s32 s5;
	_ =	sdelay $0x1  }
0xa2: {  	s23 =	simm.s32 $0x1B8B  }
0xa3: {  	_ =	swait.ge [sflag:s23], $0x1  }
0xa4: {  	[sflag:s23] =	ssyncset.done $0x0  }
0xa5: {  	s25 =	simm.s32 $0x1B8E;
	s24 =	sld [smem:$0x3FFE];
	[sflag:s23] =	ssyncadd.s32 $0xFFFFFFFF  }
0xa6: {  	s26 =	simm.s32 $execute0_lowered;
	[smem:$0x3FD2] =	sst s25  }
0xa7: {  	s6 =	sshll.u32 s26, $0x1;
	_ =	strace $0x80000046;
	[dreg:$0x1] =	wrdreg $0xFFFFFFFF  }
0xa8: {  	s28 =	simm.s32 $_size_execute0_lowered;
	s4 =	sadd.s32 s4, s6;
	[dreg:$0x0] =	wrdreg $0x0  }
0xa9: {  	s6 =	sshll.u32 s28, $0x1;
	[dreg:$0x2] =	wrdreg s4  }
0xaa: {  	[dreg:$0x3] =	wrdreg s6  }
0xab: {  	[dreg:$0x4] =	wrdreg $0xC0  }
0xac: {  	_ =	task [dreg:s8], $0x5FFFF  }
0xad: {  	[dreg:$0x1] =	wrdreg $0xFFFFFFFF  }
0xae: {  	[dreg:$0x0] =	wrdreg $0x60  }
0xaf: {  	[dreg:$0x2] =	wrdreg s2  }
0xb0: {  	[dreg:$0x3] =	wrdreg s18  }
0xb1: {  	[dreg:$0x4] =	wrdreg s24  }
0xb2: {  	[dreg:$0x5] =	wrdreg $0xC5800  }
0xb3: {  	[dreg:$0x6] =	wrdreg $0x9  }
0xb4: {  	_ =	task.clear_ibuf [dreg:s8], $0x7FFFF;
	_ =	strace $0x90000046  }
0xb5: {  	s29 =	simm.s32 $0x9;
	_ =	strace $0x80000048  }
0xb6: {  	_ =	swait.ge [sflag:s29], $0x1  }
0xb7: {  	[sflag:s29] =	ssyncadd.s32 $0xFFFFFFFF  }
0xb8: {  	_ =	strace $0x90000048  }
0xb9: {  	_ =	sfence  }
0xba: {  	s30 =	sld [smem:$0x0];
	_ =	sdelay $0x2  }
0xbb: {  	s31 =	sshll.u32 s1, $0xD;
	s1 =	sshrl.u32 s1, $0x2  }
0xbc: {  	s3 =	sand.u32 $0x4000, s31;
	s1 =	sadd.s32 s1, s30  }
0xbd: {  	s0 =	sor.u32 s3, s0;
	s1 =	sshll.u32 s1, $0x11  }
0xbe: {  	s0 =	sor.u32 s1, s0  }
0xbf: {  	s0 =	sadd.s32 $0x8F2B, s0  }
0xc0: {  	[sflag:s0] =	ssyncadd.remote.s32 $0x1  }
0xc1: {  	_ =	sfence.sel $0xFFFF  }
0xc2: {  	[dreg:$0x0] =	wrdreg $0xFFFFFFFF;
	(pc) =	sbr.abs _section_cstart, $3  }
0xc3: {  	[dreg:$0x1] =	wrdreg $0xFFFFFFFF  }
0xc4: {  	_ =	task.clear_ibuf [dreg:s8], $0x2FFFF;
	_ =	strace $0x9FFFFFFF  }
0xc5: {  	(tm) =	ssettm $0x7FFFFFFF  }
tec
execute0_lowered:
.L_overlay_start_1:
0x0: {  	(tag) =	ssettag $0x1  }
0x1: {  	s6 =	srdreg.scid;
	s7 =	stileid.u32  }
0x2: {  	s6 =	sand.u32 $0x1, s6;
	s8 =	sshll.u32 s7, $0x1  }
0x3: {  	s8 =	sor.u32 s6, s8  }
0x4: {  	s10 =	smul.u32 $0x140, s8  }
0x5: {  	s3 =	rddreg [dreg:$0x0]  }
0x6: {  	s4 =	rddreg [dreg:$0x1];
	v0 =	vlaneseq.u32;
	s23 =	sshrl.u32 s10, $0x3;
	s10 =	ssub.s32 $0x2710, s10  }
0x7: {  	s5 =	rddreg [dreg:$0x2];
	v1 =	vor.u32 $0x130, v0;
	v2 =	vmov s10  }
0x8: {  	s1 =	rddreg [dreg:$0x3];
	s2 =	simm.s32 $0x0;
	vm0 =	vgt.u32 v2, v1;
	v1 =	vimm.s32 $0x0  }
0x9: {  	[smem:$0x7FF] =	sst s2;
	v1 =	vsel vm0, $0xFFFFFFFF, v1  }
0xa: {  	s0 =	rddreg [dreg:$0x4];
	_ =	strace $0x80000047;
	[tilespmem:$0x1FFB0] =	vst v1;
	v1 =	vor.u32 $0x120, v0  }
0xb: {  	s29 =	simm.s32 $0x800;
	s30 =	simm.s32 $0x1000;
	vm0 =	vgt.u32 v2, v1;
	v1 =	vimm.s32 $0x0  }
0xc: {  	s31 =	simm.s32 $0x1800;
	s14 =	simm.s32 $0x5800;
	s15 =	simm.s32 $0x6000;
	v3 =	vor.u32 $0x110, v0;
	v1 =	vsel vm0, $0xFFFFFFFF, v1  }
0xd: {  	s16 =	simm.s32 $0x6800;
	s17 =	simm.s32 $0x7000;
	s9 =	sadd.s32 $0x1C00, s5;
	vm0 =	vgt.u32 v2, v3;
	[tilespmem:$0x1FFC0] =	vst v1;
	v1 =	vimm.s32 $0x0  }
0xe: {  	s18 =	simm.s32 $0x7800;
	s22 =	sadd.s32 $0x1600, s5;
	[dreg:$0x5] =	wrdreg s9;
	v1 =	vsel vm0, $0xFFFFFFFF, v1  }
0xf: {  	s19 =	simm.s32 $0x8000;
	s20 =	simm.s32 $0x8800;
	[dreg:$0x6] =	wrdreg s22;
	[tilespmem:$0x1FFD0] =	vst v1;
	v1 =	vor.u32 $0x100, v0  }
0x10: {  	s21 =	simm.s32 $0x9000;
	p0 =	sne.s32 s7, $0x0;
	[dreg:$0xd] =	wrdreg s29;
	vm0 =	vgt.u32 v2, v1;
	v1 =	vimm.s32 $0x0  }
0x11: {  	vm3 =	vmmov $0xffff;
	s7 =	simm.s32 $0x2000;
	s11 =	smul.u32 $0x480, s6;
	[dreg:$0xe] =	wrdreg s30;
	v1 =	vsel vm0, $0xFFFFFFFF, v1  }
0x12: {  	v4 =	vor.u32 $0x20, v0;
	v5 =	vor.u32 $0x10, v0;
	s6 =	ssub.s32 $0x2, s6;
	[dreg:$0xf] =	wrdreg s31;
	s12 =	smul.u32 $0x1400, s8;
	[tilespmem:$0x1FFE0] =	vst v1;
	v1 =	vor.u32 $0xF0, v0  }
0x13: {  	s22 =	simm.s32 $0x9800;
	s13 =	smul.u32 $0x480, s8;
	s25 =	sshrl.u32 s6, $0x1;
	vm1 =	vgt.u32 v2, v4;
	vm0 =	vgt.u32 v2, v1;
	v1 =	vimm.s32 $0x0  }
0x14: {  	p1 =	seq.s32 s8, $0x1F;
	s8 =	simm.s32 $0x2800;
	s11 =	sadd.s32 s11, s5;
	vm2 =	vgt.u32 v2, v5;
	v3 =	vor.u32 $0xE0, v0;
	v1 =	vsel vm0, $0xFFFFFFFF, v1  }
0x15: {  	s24 =	sadd.s32 s3, s12;
	s5 =	sadd.s32 s13, s5;
	s3 =	sadd.s32 $0x26C00, s3;
	vm5 =	vgt.u32 v2, v3;
	v3 =	vor.u32 $0xB0, v0;
	[tilespmem:$0x1FFF0] =	vst v1;
	v1 =	vor.u32 $0xD0, v0  }
0x16: {  	s28 =	sadd.s32 $0xB200, s11;
	s11 =	simm.s32 $0x4000;
	[dreg:$0x8] =	wrdreg s24;
	vm8 =	vgt.u32 v2, v3;
	vm6 =	vgt.u32 v2, v1;
	v1 =	vor.u32 $0xC0, v0  }
0x17: {  	s12 =	simm.s32 $0x4800;
	s13 =	simm.s32 $0x5000;
	[dreg:$0xa] =	wrdreg s3;
	v3 =	vor.u32 $0x80, v0;
	vm7 =	vgt.u32 v2, v1;
	v1 =	vor.u32 $0xA0, v0  }
0x18: {  	s9 =	sadd.s32 s4, s23;
	s4 =	sadd.s32 $0x4D8, s4;
	[dreg:$0xc] =	wrdreg s28;
	vm11 =	vgt.u32 v2, v3;
	vm9 =	vgt.u32 v2, v1;
	v1 =	vor.u32 $0x90, v0  }
0x19: {  	s26 =	sadd.s32 $0x2200, s5;
	s5 =	simm.s32 $0xA180;
	[dreg:$0x7] =	wrdreg s9;
	v3 =	vor.u32 $0x50, v0;
	vm10 =	vgt.u32 v2, v1;
	v1 =	vor.u32 $0x70, v0  }
0x1a: {  	s10 =	simm.s32 $0x3800;
	s23 =	simm.s32 $0x1;
	[dreg:$0x9] =	wrdreg s4;
	vm14 =	vgt.u32 v2, v3;
	vm12 =	vgt.u32 v2, v1;
	v1 =	vor.u32 $0x60, v0  }
0x1b: {  	s4 =	ssub.s32 s6, s25;
	[dreg:$0xb] =	wrdreg s26;
	s6 =	simm.s32 $0x2;
	v3 =	vor.u32 $0x30, v0;
	vm13 =	vgt.u32 v2, v1;
	v1 =	vor.u32 $0x40, v0  }
0x1c: {  	s9 =	simm.s32 $0x3000;
	s3 =	smax.u32 s4, $0x1;
	s4 =	sshrl.u32 @!p0 s1, $0x3;
	vm0 =	vgt.u32 v2, v3;
	vm15 =	vgt.u32 v2, v1;
	v1 =	vimm.f32 $1.000000000e+00  }
.LBB2_1:
0x1d: {  	s24 =	rddreg [dreg:$0x5];
	s25 =	simm.s32 @!p0 $0x1C02  }
0x1e: {  	[spmem:s4], [sflag:s25] =	dma.local @!p0 [hbm:s24], $0x480  }
0x1f: {  	s24 =	simm.s32 @!p0 $0x2  }
0x20: {  	_ =	swait.ge @!p0 [sflag:s24], $0x480  }
0x21: {  	s28 =	simm.s32 @p1 $0x0;
	[sflag:s24] =	ssyncset.done @!p0 $0x0  }
0x22: {  	s29 =	simm.s32 @p1 $0xA000;
	s26 =	rddreg [dreg:$0x9];
	[sflag:s24] =	ssyncadd.s32 @!p0 $0xFFFFFB80  }
0x23: {  	[tilespmem:s29], [sflag:$0x2] =	stream.linear.gather @p1 [hbm4b:s26+s28], $0x50, $0x38;
	[tilespmem:$0xC7C0] =	vst v63  }
0x24: {  	s26 =	simm.s32 @p1 $0x2  }
0x25: {  	_ =	swait.ge @p1 [sflag:s26], $0x50  }
0x26: {  	[sflag:s26] =	ssyncset.done @p1 $0x0  }
0x27: {  	s29 =	rddreg [dreg:$0xa];
	[sflag:s26] =	ssyncadd.s32 @p1 $0xFFFFFFB0  }
0x28: {  	[tilespmem:s28], [sflag:$0x2] =	stream.linear.gather @p1 [hbm4b:s29+s28], $0x2800, $0x38;
	[tilespmem:$0xC7C0] =	vst v63  }
0x29: {  	_ =	swait.ge @p1 [sflag:s26], $0x2800  }
0x2a: {  	s29 =	simm.s32 @!p1 $0xA000;
	[sflag:s26] =	ssyncset.done @p1 $0x0  }
0x2b: {  	s28 =	rddreg [dreg:$0x7];
	[sflag:s26] =	ssyncadd.s32 @p1 $0xFFFFD800;
	s26 =	simm.s32 @!p1 $0x0  }
0x2c: {  	[tilespmem:s29], [sflag:$0x2] =	stream.linear.gather @!p1 [hbm4b:s28+s26], $0x140, $0x38;
	[tilespmem:$0xC7C0] =	vst v63  }
0x2d: {  	s28 =	simm.s32 @!p1 $0x2  }
0x2e: {  	_ =	swait.ge @!p1 [sflag:s28], $0x140  }
0x2f: {  	[sflag:s28] =	ssyncset.done @!p1 $0x0  }
0x30: {  	s29 =	rddreg [dreg:$0x8];
	[sflag:s28] =	ssyncadd.s32 @!p1 $0xFFFFFEC0  }
0x31: {  	[tilespmem:s26], [sflag:$0x2] =	stream.linear.gather @!p1 [hbm4b:s29+s26], $0xA000, $0x38;
	[tilespmem:$0xC7C0] =	vst v63  }
0x32: {  	_ =	swait.ge @!p1 [sflag:s28], $0xA000  }
0x33: {  	[sflag:s28] =	ssyncset.done @!p1 $0x0  }
0x34: {  	s31 =	rddreg [dreg:$0x6];
	[sflag:s28] =	ssyncadd.s32 @!p1 $0xFFFF6000  }
0x35: {  	[tilespmem:s5], [sflag:$0x2] =	stream.linear.gather [hbm4b:s31+s2], $0x2400, $0x38;
	[tilespmem:$0xC7C0] =	vst v63  }
0x36: {  	_ =	swait.ge [sflag:s6], $0x2400  }
0x37: {  	[sflag:s6] =	ssyncset.done $0x0  }
0x38: {  	[sflag:s6] =	ssyncadd.s32 $0xFFFFDC00  }
0x39: {  	[bflag:$0x0] =	sbarrier.arrive $0xFFFF  }
0x3a: {  	v2 =	vld [tilespmem:$0xA000];
	_ =	sdelay $0x4  }
0x3b: {  	v3 =	vshll.u32 v2, $0x7  }
0x3c: {  	v3 =	vor.u32 v0, v3;
	_ =	sdelay $0x3  }
0x3d: {  	[spmem:s1] =	stream.indirect_vreg.scatter.add.f32 [tilespmem:s2], [sflag:$0x1], $0x80, v2, vm3, $0xb8;
	[tilespmem:$0xC7C0] =	vst v63  }
0x3e: {  	[tilespmem:v3+s5+$0x0] =	vst.idx.add.f32.msk $0xffff, v1  }
0x3f: {  	v2 =	vld [tilespmem:$0xA010];
	_ =	sdelay $0x4  }
0x40: {  	v2 =	vnsel vm2, $0x40, v2  }
0x41: {  	v3 =	vshll.u32 v2, $0x7  }
0x42: {  	v3 =	vor.u32 v0, v3;
	_ =	sdelay $0x2  }
0x43: {  	s28 =	rddreg [dreg:$0xd]  }
0x44: {  	[spmem:s1] =	stream.indirect_vreg.scatter.add.f32 [tilespmem:s28], [sflag:$0x1], $0x80, v2, vm3, $0xb8;
	[tilespmem:$0xC7C0] =	vst v63  }
0x45: {  	[tilespmem:v3+s5+$0x0] =	vst.idx.add.f32.msk $0xffff, v1  }
0x46: {  	v2 =	vld [tilespmem:$0xA020];
	_ =	sdelay $0x4  }
0x47: {  	v2 =	vnsel vm1, $0x40, v2  }
0x48: {  	v3 =	vshll.u32 v2, $0x7  }
0x49: {  	v3 =	vor.u32 v0, v3;
	_ =	sdelay $0x2  }
0x4a: {  	s29 =	rddreg [dreg:$0xe]  }
0x4b: {  	[spmem:s1] =	stream.indirect_vreg.scatter.add.f32 [tilespmem:s29], [sflag:$0x1], $0x80, v2, vm3, $0xb8;
	[tilespmem:$0xC7C0] =	vst v63  }
0x4c: {  	[tilespmem:v3+s5+$0x0] =	vst.idx.add.f32.msk $0xffff, v1  }
0x4d: {  	v2 =	vld [tilespmem:$0xA030];
	_ =	sdelay $0x4  }
0x4e: {  	v2 =	vnsel vm0, $0x40, v2  }
0x4f: {  	v3 =	vshll.u32 v2, $0x7  }
0x50: {  	v3 =	vor.u32 v0, v3;
	_ =	sdelay $0x2  }
0x51: {  	s30 =	rddreg [dreg:$0xf]  }
0x52: {  	[spmem:s1] =	stream.indirect_vreg.scatter.add.f32 [tilespmem:s30], [sflag:$0x1], $0x80, v2, vm3, $0xb8;
	[tilespmem:$0xC7C0] =	vst v63  }
0x53: {  	[tilespmem:v3+s5+$0x0] =	vst.idx.add.f32.msk $0xffff, v1  }
0x54: {  	v2 =	vld [tilespmem:$0xA040];
	_ =	sdelay $0x4  }
0x55: {  	v2 =	vnsel vm15, $0x40, v2  }
0x56: {  	v3 =	vshll.u32 v2, $0x7  }
0x57: {  	v3 =	vor.u32 v0, v3;
	_ =	sdelay $0x3  }
0x58: {  	[spmem:s1] =	stream.indirect_vreg.scatter.add.f32 [tilespmem:s7], [sflag:$0x1], $0x80, v2, vm3, $0xb8;
	[tilespmem:$0xC7C0] =	vst v63  }
0x59: {  	[tilespmem:v3+s5+$0x0] =	vst.idx.add.f32.msk $0xffff, v1  }
0x5a: {  	v2 =	vld [tilespmem:$0xA050];
	_ =	sdelay $0x4  }
0x5b: {  	v2 =	vnsel vm14, $0x40, v2  }
0x5c: {  	v3 =	vshll.u32 v2, $0x7  }
0x5d: {  	v3 =	vor.u32 v0, v3;
	_ =	sdelay $0x3  }
0x5e: {  	[spmem:s1] =	stream.indirect_vreg.scatter.add.f32 [tilespmem:s8], [sflag:$0x1], $0x80, v2, vm3, $0xb8;
	[tilespmem:$0xC7C0] =	vst v63  }
0x5f: {  	[tilespmem:v3+s5+$0x0] =	vst.idx.add.f32.msk $0xffff, v1  }
0x60: {  	v2 =	vld [tilespmem:$0xA060];
	_ =	sdelay $0x4  }
0x61: {  	v2 =	vnsel vm13, $0x40, v2  }
0x62: {  	v3 =	vshll.u32 v2, $0x7  }
0x63: {  	v3 =	vor.u32 v0, v3;
	_ =	sdelay $0x3  }
0x64: {  	[spmem:s1] =	stream.indirect_vreg.scatter.add.f32 [tilespmem:s9], [sflag:$0x1], $0x80, v2, vm3, $0xb8;
	[tilespmem:$0xC7C0] =	vst v63  }
0x65: {  	[tilespmem:v3+s5+$0x0] =	vst.idx.add.f32.msk $0xffff, v1  }
0x66: {  	v2 =	vld [tilespmem:$0xA070];
	_ =	sdelay $0x4  }
0x67: {  	v2 =	vnsel vm12, $0x40, v2  }
0x68: {  	v3 =	vshll.u32 v2, $0x7  }
0x69: {  	v3 =	vor.u32 v0, v3;
	_ =	sdelay $0x3  }
0x6a: {  	[spmem:s1] =	stream.indirect_vreg.scatter.add.f32 [tilespmem:s10], [sflag:$0x1], $0x80, v2, vm3, $0xb8;
	[tilespmem:$0xC7C0] =	vst v63  }
0x6b: {  	[tilespmem:v3+s5+$0x0] =	vst.idx.add.f32.msk $0xffff, v1  }
0x6c: {  	v2 =	vld [tilespmem:$0xA080];
	_ =	sdelay $0x4  }
0x6d: {  	v2 =	vnsel vm11, $0x40, v2  }
0x6e: {  	v3 =	vshll.u32 v2, $0x7  }
0x6f: {  	v3 =	vor.u32 v0, v3;
	_ =	sdelay $0x3  }
0x70: {  	[spmem:s1] =	stream.indirect_vreg.scatter.add.f32 [tilespmem:s11], [sflag:$0x1], $0x80, v2, vm3, $0xb8;
	[tilespmem:$0xC7C0] =	vst v63  }
0x71: {  	[tilespmem:v3+s5+$0x0] =	vst.idx.add.f32.msk $0xffff, v1  }
0x72: {  	v2 =	vld [tilespmem:$0xA090];
	_ =	sdelay $0x4  }
0x73: {  	v2 =	vnsel vm10, $0x40, v2  }
0x74: {  	v3 =	vshll.u32 v2, $0x7  }
0x75: {  	v3 =	vor.u32 v0, v3;
	_ =	sdelay $0x3  }
0x76: {  	[spmem:s1] =	stream.indirect_vreg.scatter.add.f32 [tilespmem:s12], [sflag:$0x1], $0x80, v2, vm3, $0xb8;
	[tilespmem:$0xC7C0] =	vst v63  }
0x77: {  	[tilespmem:v3+s5+$0x0] =	vst.idx.add.f32.msk $0xffff, v1  }
0x78: {  	v2 =	vld [tilespmem:$0xA0A0];
	_ =	sdelay $0x4  }
0x79: {  	v2 =	vnsel vm9, $0x40, v2  }
0x7a: {  	v3 =	vshll.u32 v2, $0x7  }
0x7b: {  	v3 =	vor.u32 v0, v3;
	_ =	sdelay $0x3  }
0x7c: {  	[spmem:s1] =	stream.indirect_vreg.scatter.add.f32 [tilespmem:s13], [sflag:$0x1], $0x80, v2, vm3, $0xb8;
	[tilespmem:$0xC7C0] =	vst v63  }
0x7d: {  	[tilespmem:v3+s5+$0x0] =	vst.idx.add.f32.msk $0xffff, v1  }
0x7e: {  	v2 =	vld [tilespmem:$0xA0B0];
	_ =	sdelay $0x4  }
0x7f: {  	v2 =	vnsel vm8, $0x40, v2  }
0x80: {  	v3 =	vshll.u32 v2, $0x7  }
0x81: {  	v3 =	vor.u32 v0, v3;
	_ =	sdelay $0x3  }
0x82: {  	[spmem:s1] =	stream.indirect_vreg.scatter.add.f32 [tilespmem:s14], [sflag:$0x1], $0x80, v2, vm3, $0xb8;
	[tilespmem:$0xC7C0] =	vst v63  }
0x83: {  	[tilespmem:v3+s5+$0x0] =	vst.idx.add.f32.msk $0xffff, v1  }
0x84: {  	v2 =	vld [tilespmem:$0xA0C0];
	_ =	sdelay $0x4  }
0x85: {  	v2 =	vnsel vm7, $0x40, v2  }
0x86: {  	v3 =	vshll.u32 v2, $0x7  }
0x87: {  	v3 =	vor.u32 v0, v3;
	_ =	sdelay $0x3  }
0x88: {  	[spmem:s1] =	stream.indirect_vreg.scatter.add.f32 [tilespmem:s15], [sflag:$0x1], $0x80, v2, vm3, $0xb8;
	[tilespmem:$0xC7C0] =	vst v63  }
0x89: {  	[tilespmem:v3+s5+$0x0] =	vst.idx.add.f32.msk $0xffff, v1  }
0x8a: {  	v2 =	vld [tilespmem:$0xA0D0];
	_ =	sdelay $0x4  }
0x8b: {  	v2 =	vnsel vm6, $0x40, v2  }
0x8c: {  	v3 =	vshll.u32 v2, $0x7  }
0x8d: {  	v3 =	vor.u32 v0, v3;
	_ =	sdelay $0x3  }
0x8e: {  	[spmem:s1] =	stream.indirect_vreg.scatter.add.f32 [tilespmem:s16], [sflag:$0x1], $0x80, v2, vm3, $0xb8;
	[tilespmem:$0xC7C0] =	vst v63  }
0x8f: {  	[tilespmem:v3+s5+$0x0] =	vst.idx.add.f32.msk $0xffff, v1  }
0x90: {  	v2 =	vld [tilespmem:$0xA0E0];
	_ =	sdelay $0x4  }
0x91: {  	v2 =	vnsel vm5, $0x40, v2  }
0x92: {  	v3 =	vshll.u32 v2, $0x7  }
0x93: {  	v3 =	vor.u32 v0, v3;
	_ =	sdelay $0x3  }
0x94: {  	[spmem:s1] =	stream.indirect_vreg.scatter.add.f32 [tilespmem:s17], [sflag:$0x1], $0x80, v2, vm3, $0xb8;
	[tilespmem:$0xC7C0] =	vst v63  }
0x95: {  	[tilespmem:v3+s5+$0x0] =	vst.idx.add.f32.msk $0xffff, v1  }
0x96: {  	v3 =	vld [tilespmem:$0x1FFF0]  }
0x97: {  	v2 =	vld [tilespmem:$0xA0F0];
	_ =	sdelay $0x3  }
0x98: {  	vm4 =	vnez.u8 v3  }
0x99: {  	v2 =	vnsel vm4, $0x40, v2  }
0x9a: {  	v3 =	vshll.u32 v2, $0x7  }
0x9b: {  	v3 =	vor.u32 v0, v3;
	_ =	sdelay $0x3  }
0x9c: {  	[spmem:s1] =	stream.indirect_vreg.scatter.add.f32 [tilespmem:s18], [sflag:$0x1], $0x80, v2, vm3, $0xb8;
	[tilespmem:$0xC7C0] =	vst v63  }
0x9d: {  	[tilespmem:v3+s5+$0x0] =	vst.idx.add.f32.msk $0xffff, v1  }
0x9e: {  	v3 =	vld [tilespmem:$0x1FFE0]  }
0x9f: {  	v2 =	vld [tilespmem:$0xA100];
	_ =	sdelay $0x3  }
0xa0: {  	vm4 =	vnez.u8 v3  }
0xa1: {  	v2 =	vnsel vm4, $0x40, v2  }
0xa2: {  	v3 =	vshll.u32 v2, $0x7  }
0xa3: {  	v3 =	vor.u32 v0, v3;
	_ =	sdelay $0x3  }
0xa4: {  	[spmem:s1] =	stream.indirect_vreg.scatter.add.f32 [tilespmem:s19], [sflag:$0x1], $0x80, v2, vm3, $0xb8;
	[tilespmem:$0xC7C0] =	vst v63  }
0xa5: {  	[tilespmem:v3+s5+$0x0] =	vst.idx.add.f32.msk $0xffff, v1  }
0xa6: {  	v3 =	vld [tilespmem:$0x1FFD0]  }
0xa7: {  	v2 =	vld [tilespmem:$0xA110];
	_ =	sdelay $0x3  }
0xa8: {  	vm4 =	vnez.u8 v3  }
0xa9: {  	v2 =	vnsel vm4, $0x40, v2  }
0xaa: {  	v3 =	vshll.u32 v2, $0x7  }
0xab: {  	v3 =	vor.u32 v0, v3;
	_ =	sdelay $0x3  }
0xac: {  	[spmem:s1] =	stream.indirect_vreg.scatter.add.f32 [tilespmem:s20], [sflag:$0x1], $0x80, v2, vm3, $0xb8;
	[tilespmem:$0xC7C0] =	vst v63  }
0xad: {  	[tilespmem:v3+s5+$0x0] =	vst.idx.add.f32.msk $0xffff, v1  }
0xae: {  	v3 =	vld [tilespmem:$0x1FFC0]  }
0xaf: {  	v2 =	vld [tilespmem:$0xA120];
	_ =	sdelay $0x3  }
0xb0: {  	vm4 =	vnez.u8 v3  }
0xb1: {  	v2 =	vnsel vm4, $0x40, v2  }
0xb2: {  	v3 =	vshll.u32 v2, $0x7  }
0xb3: {  	v3 =	vor.u32 v0, v3;
	_ =	sdelay $0x3  }
0xb4: {  	[spmem:s1] =	stream.indirect_vreg.scatter.add.f32 [tilespmem:s21], [sflag:$0x1], $0x80, v2, vm3, $0xb8;
	[tilespmem:$0xC7C0] =	vst v63  }
0xb5: {  	[tilespmem:v3+s5+$0x0] =	vst.idx.add.f32.msk $0xffff, v1  }
0xb6: {  	v3 =	vld [tilespmem:$0x1FFB0]  }
0xb7: {  	v2 =	vld [tilespmem:$0xA130];
	_ =	sdelay $0x3  }
0xb8: {  	vm4 =	vnez.u8 v3  }
0xb9: {  	v2 =	vnsel vm4, $0x40, v2  }
0xba: {  	v3 =	vshll.u32 v2, $0x7  }
0xbb: {  	v3 =	vor.u32 v0, v3;
	_ =	sdelay $0x3  }
0xbc: {  	[spmem:s1] =	stream.indirect_vreg.scatter.add.f32 [tilespmem:s22], [sflag:$0x1], $0x80, v2, vm3, $0xb8;
	[tilespmem:$0xC7C0] =	vst v63  }
0xbd: {  	s31 =	rddreg [dreg:$0xb];
	[tilespmem:v3+s5+$0x0] =	vst.idx.add.f32.msk $0xffff, v1  }
0xbe: {  	[hbm4b:s31+s2] =	stream.linear.scatter [tilespmem:s5], [sflag:$0x2], $0x2400, $0x38;
	[tilespmem:$0xC7C0] =	vst v63  }
0xbf: {  	_ =	swait.ge [sflag:s6], $0x2400  }
0xc0: {  	[sflag:s6] =	ssyncset.done $0x0  }
0xc1: {  	[sflag:s6] =	ssyncadd.s32 $0xFFFFDC00  }
0xc2: {  	_ =	swait.ge [sflag:s23], $0x800  }
0xc3: {  	[sflag:s23] =	ssyncset.done $0x0  }
0xc4: {  	[sflag:s23] =	ssyncadd.s32 $0xFFFFF800  }
0xc5: {  	_ =	swait.ge [sflag:s23], $0x800  }
0xc6: {  	[sflag:s23] =	ssyncset.done $0x0  }
0xc7: {  	[sflag:s23] =	ssyncadd.s32 $0xFFFFF800  }
0xc8: {  	_ =	swait.ge [sflag:s23], $0x800  }
0xc9: {  	[sflag:s23] =	ssyncset.done $0x0  }
0xca: {  	[sflag:s23] =	ssyncadd.s32 $0xFFFFF800  }
0xcb: {  	_ =	swait.ge [sflag:s23], $0x800  }
0xcc: {  	[sflag:s23] =	ssyncset.done $0x0  }
0xcd: {  	[sflag:s23] =	ssyncadd.s32 $0xFFFFF800  }
0xce: {  	_ =	swait.ge [sflag:s23], $0x800  }
0xcf: {  	[sflag:s23] =	ssyncset.done $0x0  }
0xd0: {  	[sflag:s23] =	ssyncadd.s32 $0xFFFFF800  }
0xd1: {  	_ =	swait.ge [sflag:s23], $0x800  }
0xd2: {  	[sflag:s23] =	ssyncset.done $0x0  }
0xd3: {  	[sflag:s23] =	ssyncadd.s32 $0xFFFFF800  }
0xd4: {  	_ =	swait.ge [sflag:s23], $0x800  }
0xd5: {  	[sflag:s23] =	ssyncset.done $0x0  }
0xd6: {  	[sflag:s23] =	ssyncadd.s32 $0xFFFFF800  }
0xd7: {  	_ =	swait.ge [sflag:s23], $0x800  }
0xd8: {  	[sflag:s23] =	ssyncset.done $0x0  }
0xd9: {  	[sflag:s23] =	ssyncadd.s32 $0xFFFFF800  }
0xda: {  	_ =	swait.ge [sflag:s23], $0x800  }
0xdb: {  	[sflag:s23] =	ssyncset.done $0x0  }
0xdc: {  	[sflag:s23] =	ssyncadd.s32 $0xFFFFF800  }
0xdd: {  	_ =	swait.ge [sflag:s23], $0x800  }
0xde: {  	[sflag:s23] =	ssyncset.done $0x0  }
0xdf: {  	[sflag:s23] =	ssyncadd.s32 $0xFFFFF800  }
0xe0: {  	_ =	swait.ge [sflag:s23], $0x800  }
0xe1: {  	[sflag:s23] =	ssyncset.done $0x0  }
0xe2: {  	[sflag:s23] =	ssyncadd.s32 $0xFFFFF800  }
0xe3: {  	_ =	swait.ge [sflag:s23], $0x800  }
0xe4: {  	[sflag:s23] =	ssyncset.done $0x0  }
0xe5: {  	[sflag:s23] =	ssyncadd.s32 $0xFFFFF800  }
0xe6: {  	_ =	swait.ge [sflag:s23], $0x800  }
0xe7: {  	[sflag:s23] =	ssyncset.done $0x0  }
0xe8: {  	[sflag:s23] =	ssyncadd.s32 $0xFFFFF800  }
0xe9: {  	_ =	swait.ge [sflag:s23], $0x800  }
0xea: {  	[sflag:s23] =	ssyncset.done $0x0  }
0xeb: {  	[sflag:s23] =	ssyncadd.s32 $0xFFFFF800  }
0xec: {  	_ =	swait.ge [sflag:s23], $0x800  }
0xed: {  	[sflag:s23] =	ssyncset.done $0x0  }
0xee: {  	[sflag:s23] =	ssyncadd.s32 $0xFFFFF800  }
0xef: {  	_ =	swait.ge [sflag:s23], $0x800  }
0xf0: {  	[sflag:s23] =	ssyncset.done $0x0  }
0xf1: {  	[sflag:s23] =	ssyncadd.s32 $0xFFFFF800  }
0xf2: {  	_ =	swait.ge [sflag:s23], $0x800  }
0xf3: {  	[sflag:s23] =	ssyncset.done $0x0  }
0xf4: {  	[sflag:s23] =	ssyncadd.s32 $0xFFFFF800  }
0xf5: {  	_ =	swait.ge [sflag:s23], $0x800  }
0xf6: {  	[sflag:s23] =	ssyncset.done $0x0  }
0xf7: {  	[sflag:s23] =	ssyncadd.s32 $0xFFFFF800  }
0xf8: {  	_ =	swait.ge [sflag:s23], $0x800  }
0xf9: {  	[sflag:s23] =	ssyncset.done $0x0  }
0xfa: {  	[sflag:s23] =	ssyncadd.s32 $0xFFFFF800  }
0xfb: {  	_ =	swait.ge [sflag:s23], $0x800  }
0xfc: {  	[sflag:s23] =	ssyncset.done $0x0  }
0xfd: {  	s3 =	sadd.s32 $0xFFFFFFFF, s3;
	[sflag:s23] =	ssyncadd.s32 $0xFFFFF800  }
0xfe: {  	p2 =	sne.s32 s3, $0x0;
	[bflag:$0x0] =	sbarrier.arrive $0xFFFF  }
.Ltmp0:
0xff: {  	s26 =	rddreg [dreg:$0xc];
	(pc) =	sbr.rel @p2 .LBB2_1-.Ltmp0, $4  }
0x100: {  	[hbm:s26], [sflag:s25] =	dma.local @!p0 [spmem:s4], $0x480  }
0x101: {  	_ =	swait.ge @!p0 [sflag:s24], $0x480  }
0x102: {  	[sflag:s24] =	ssyncset.done @!p0 $0x0  }
0x103: {  	[sflag:s24] =	ssyncadd.s32 @!p0 $0xFFFFFB80  }
0x104: {  	_ =	sfence.sel $0x180000  }
0x105: {  	[bflag:$0x0] =	sbarrier.arrive $0xFFFF  }
0x106: {  	_ =	strace $0x90000047  }
0x107: {  	s0 =	sadd.s32 @!p0 $0x100000, s0;
	[bflag:$0x2] =	sbarrier.arrive $0xFFFF  }
0x108: {  	[sflag:s0] =	ssyncadd.tile.s32 @!p0 $0x1;
	_ =	shalt  }
.Lfunc_end2:
_tile_overlayer_lowered:
.L_overlay_start_2:
0x109: {  	(tag) =	ssettag $0x2  }
0x10a: {  	s0 =	rddreg [dreg:$0x0];
	s2 =	stileid.u32  }
0x10b: {  	s1 =	rddreg [dreg:$0x1];
	p0 =	sne.s32 s2, $0x0  }
0x10c: {  	s3 =	rddreg [dreg:$0x2];
	[bflag:$0x3] =	sbarrier.arrive $0xFFFF;
	s2 =	simm.s32 @!p0 $0x1C02  }
0x10d: {  	[timem:s3], [sflag:s2] =	dma.local @!p0 [hbm:s0], s1  }
0x10e: {  	s0 =	simm.s32 @!p0 $0x2  }
0x10f: {  	_ =	swait.ge @!p0 [sflag:s0], s1  }
0x110: {  	s1 =	ssub.s32 @!p0 $0x0, s1;
	[sflag:s0] =	ssyncset.done @!p0 $0x0  }
0x111: {  	[sflag:s0] =	ssyncadd.s32 @!p0 s1  }
0x112: {  	[bflag:$0x3] =	sbarrier.arrive $0xFFFF  }
0x113: {  	_ =	shalt  }

</sc_bundles>
